<compile_context>
chip_gen: v7x
topology: tpu7x:2x2x1
jax: 0.10.2.dev20260603
libtpu: 0.0.44.dev20260713+nightly
codegen_flags: <defaults>
</compile_context>

<pallas_src>
import functools

import jax
import jax.numpy as jnp
from jax import lax
from jax.experimental import pallas as pl
from jax.experimental.pallas import tpu as pltpu
from jax.experimental.pallas import tpu_sc as plsc

_KN = 1024
_X0 = -10.0
_DX = (10.0 - (-10.0)) / (_KN - 1)
_INV = 1.0 / (_DX + 1e-12)
_NW = 32
_L = 16
_RB = 8
_CB = 2048


def _spline_body(nrows, ncols, x_hbm, y_hbm, o_hbm, y_v, c0_v, c1_v, xb0, xb1,
                 ob0, ob1, si0, si1, so0, so1, sy):
    c = lax.axis_index("c")
    s = lax.axis_index("s")
    wrow = (s * 2 + c) * (nrows // _NW)
    nch = (nrows // _NW) // _RB * (ncols // _CB)
    ncw = ncols // _CB
    xbufs = (xb0, xb1)
    obufs = (ob0, ob1)
    sin = (si0, si1)
    sout = (so0, so1)

    def slab(k):
        r0 = wrow + (k // ncw) * _RB
        c0_ = (k % ncw) * _CB
        return (pl.ds(r0, _RB), pl.ds(c0_, _CB))

    def start_in(k, b):
        pltpu.async_copy(x_hbm.at[slab(k)], xbufs[b], sin[b])

    def wait_in(b):
        pltpu.make_async_copy(x_hbm.at[slab(0)], xbufs[b], sin[b]).wait()

    def start_out(k, b):
        pltpu.async_copy(obufs[b], o_hbm.at[slab(k)], sout[b])

    def wait_out(b):
        pltpu.make_async_copy(obufs[b], o_hbm.at[slab(0)], sout[b]).wait()

    start_in(0, 0)
    start_in(1, 1)

    pltpu.async_copy(y_hbm, y_v.at[pl.ds(0, _KN)], sy).wait()

    @plsc.parallel_loop(0, _KN, step=_L, unroll=4)
    def mktab(i):
        yl = y_v[pl.ds(i, _L)]
        yr = y_v[pl.ds(i + 1, _L)]
        dy = yr - yl
        if32 = (i + lax.iota(jnp.int32, _L)).astype(jnp.float32)
        c1_v[pl.ds(i, _L)] = dy
        c0_v[pl.ds(i, _L)] = yl - if32 * dy

    def compute(b):
        xb = xbufs[b]
        ob = obufs[b]

        @plsc.parallel_loop(0, _CB, step=_L, unroll=1)
        def vec(i):
            for r in range(_RB):
                xv = xb[r, pl.ds(i, _L)]
                ob[r, pl.ds(i, _L)] = xv

    @pl.loop(0, nch, step=2)
    def outer(k0):
        for b in range(2):
            k = k0 + b

            wait_in(b)

            @pl.when(k >= 2)
            def _():
                wait_out(b)

            compute(b)
            start_out(k, b)

            @pl.when(k + 2 < nch)
            def _():
                start_in(k + 2, b)

    wait_out(0)
    wait_out(1)


@jax.jit
def kernel(x, y):
    nrows, ncols = x.shape
    assert nrows % (_NW * _RB) == 0 and ncols % _CB == 0
    mesh = plsc.VectorSubcoreMesh(core_axis_name="c", subcore_axis_name="s")
    run = pl.kernel(
        functools.partial(_spline_body, nrows, ncols),
        out_type=jax.ShapeDtypeStruct((nrows, ncols), jnp.float32),
        mesh=mesh,
        scratch_types=[
            pltpu.VMEM((_KN + _L,), jnp.float32),
            pltpu.VMEM((_KN,), jnp.float32),
            pltpu.VMEM((_KN,), jnp.float32),
            pltpu.VMEM((_RB, _CB), jnp.float32),
            pltpu.VMEM((_RB, _CB), jnp.float32),
            pltpu.VMEM((_RB, _CB), jnp.float32),
            pltpu.VMEM((_RB, _CB), jnp.float32),
            pltpu.SemaphoreType.DMA,
            pltpu.SemaphoreType.DMA,
            pltpu.SemaphoreType.DMA,
            pltpu.SemaphoreType.DMA,
            pltpu.SemaphoreType.DMA,
        ],
        compiler_params=pltpu.CompilerParams(
            needs_layout_passes=False, use_tc_tiling_on_sc=True
        ),
    )
    return run(x, y)

# --- scband reference (transcript-rebuilt; emitter-appended) ---
"""Pipeline reference for scband-piecewise-linear-spline-8727373546280 (READ-ONLY COPY).

The authoritative reference and input builder live on the scoring server;
editing this copy changes nothing except your own understanding.
"""

import jax, jax.numpy as jnp
import numpy as np

N_KNOTS = 1024
X_MIN = -10.0
X_MAX = 10.0


def setup_inputs(seed: int = 0) -> dict:
    key = jax.random.key(seed)
    k1, k2 = jax.random.split(key)
    x = jax.random.normal(k1, (4096, 4096), dtype=jnp.float32)
    y = jax.random.uniform(k2, (N_KNOTS,), minval=-0.01, maxval=0.01, dtype=jnp.float32)
    return {"x": x, "y": y}


def reference(x, y):
    n_knots = y.shape[0]
    kx = jnp.linspace(X_MIN, X_MAX, n_knots, dtype=x.dtype)
    x0 = kx[0]
    xN = kx[-1]
    dx = (xN - x0) / (n_knots - 1)
    u = (x - x0) / (dx + 1e-12)
    idx = jnp.clip(jnp.floor(u).astype(jnp.int32), 0, n_knots - 2)
    t = u - idx.astype(u.dtype)
    yL = jnp.take(y, idx, axis=0)
    yR = jnp.take(y, idx + 1, axis=0)
    out = yL + t * (yR - yL)
    m0 = (y[1] - y[0]) / (dx + 1e-12)
    y_left = y[0] + m0 * (x - x0)
    mN = (y[-1] - y[-2]) / (dx + 1e-12)
    y_right = y[-1] + mN * (x - xN)
    out = jnp.where(x < x0, y_left, out)
    out = jnp.where(x > xN, y_right, out)
    return out

if __name__ == "__main__":
    import jax
    _d = setup_inputs()
    print(jax.jit(kernel)(*tuple(_d.values())))

</pallas_src>

<mosaic_0001>
#map = affine_map<(d0, d1) -> (0, 0)>
#map1 = affine_map<(d0, d1) -> (0)>
module attributes {stable_mosaic.version = 14 : i64} {
  func.func @_spline_body(%arg0: i32, %arg1: i32, %arg2: memref<4096x4096xf32, #tpu.memory_space<hbm>>, %arg3: memref<1024xf32, #tpu.memory_space<hbm>>, %arg4: memref<4096x4096xf32, #tpu.memory_space<hbm>>, %arg5: memref<1040xf32, #tpu.memory_space<vmem>>, %arg6: memref<1024xf32, #tpu.memory_space<vmem>>, %arg7: memref<1024xf32, #tpu.memory_space<vmem>>, %arg8: memref<8x2048xf32, #tpu.memory_space<vmem>>, %arg9: memref<8x2048xf32, #tpu.memory_space<vmem>>, %arg10: memref<8x2048xf32, #tpu.memory_space<vmem>>, %arg11: memref<8x2048xf32, #tpu.memory_space<vmem>>, %arg12: memref<!tpu.dma_semaphore, #tpu.memory_space<semaphore_mem>>, %arg13: memref<!tpu.dma_semaphore, #tpu.memory_space<semaphore_mem>>, %arg14: memref<!tpu.dma_semaphore, #tpu.memory_space<semaphore_mem>>, %arg15: memref<!tpu.dma_semaphore, #tpu.memory_space<semaphore_mem>>, %arg16: memref<!tpu.dma_semaphore, #tpu.memory_space<semaphore_mem>>) attributes {dimension_semantics = [#tpu.dimension_semantics<core_parallel>, #tpu.dimension_semantics<subcore_parallel>], iteration_bounds = array<i64: 2, 16>, scalar_prefetch = 0 : i64, scratch_operands = 12 : i64, tpu.core_type = #tpu.core_type<sc_vector_subcore>, window_params = [{transform_indices = #map}, {transform_indices = #map1}, {transform_indices = #map}]} {
    %mul3A = arith.constant 2 : i32
    %mul3A_0 = arith.muli %arg1, %mul3A : i32
    %add3A = arith.addi %mul3A_0, %arg0 : i32
    %mul3A_1 = arith.constant 128 : i32
    %mul3A_2 = arith.muli %add3A, %mul3A_1 : i32
    %add3A_3 = arith.constant 0 : i32
    %add3A_4 = arith.addi %mul3A_2, %add3A_3 : i32
    %dma_start3A = arith.constant 0 : i32
    %dma_start3A_5 = tpu.memref_slice %arg2[%add3A_4, %dma_start3A] : memref<4096x4096xf32, #tpu.memory_space<hbm>> -> memref<8x2048xf32, #tpu.memory_space<hbm>>
    %dma_start3A_6 = arith.constant 0 : i32
    %dma_start3A_7 = tpu.memref_slice %arg2[%add3A_4, %dma_start3A_6] : memref<4096x4096xf32, #tpu.memory_space<hbm>> -> memref<8x2048xf32, #tpu.memory_space<hbm>>
    tpu.enqueue_dma source(%dma_start3A_7 : memref<8x2048xf32, #tpu.memory_space<hbm>>) target(%arg8 : memref<8x2048xf32, #tpu.memory_space<vmem>>) target_semaphore(%arg12 : memref<!tpu.dma_semaphore, #tpu.memory_space<semaphore_mem>>)
    %add3A_8 = arith.constant 0 : i32
    %add3A_9 = arith.addi %mul3A_2, %add3A_8 : i32
    %dma_start3A_10 = arith.constant 2048 : i32
    %dma_start3A_11 = tpu.memref_slice %arg2[%add3A_9, %dma_start3A_10] : memref<4096x4096xf32, #tpu.memory_space<hbm>> -> memref<8x2048xf32, #tpu.memory_space<hbm>>
    %dma_start3A_12 = arith.constant 2048 : i32
    %dma_start3A_13 = tpu.memref_slice %arg2[%add3A_9, %dma_start3A_12] : memref<4096x4096xf32, #tpu.memory_space<hbm>> -> memref<8x2048xf32, #tpu.memory_space<hbm>>
    tpu.enqueue_dma source(%dma_start3A_13 : memref<8x2048xf32, #tpu.memory_space<hbm>>) target(%arg9 : memref<8x2048xf32, #tpu.memory_space<vmem>>) target_semaphore(%arg13 : memref<!tpu.dma_semaphore, #tpu.memory_space<semaphore_mem>>)
    %dma_start3A_14 = arith.constant 0 : i32
    %dma_start3A_15 = tpu.memref_slice %arg5[%dma_start3A_14] : memref<1040xf32, #tpu.memory_space<vmem>> -> memref<1024xf32, #tpu.memory_space<vmem>>
    %dma_start3A_16 = arith.constant 0 : i32
    %dma_start3A_17 = tpu.memref_slice %arg5[%dma_start3A_16] : memref<1040xf32, #tpu.memory_space<vmem>> -> memref<1024xf32, #tpu.memory_space<vmem>>
    tpu.enqueue_dma source(%arg3 : memref<1024xf32, #tpu.memory_space<hbm>>) target(%dma_start3A_17 : memref<1024xf32, #tpu.memory_space<vmem>>) target_semaphore(%arg16 : memref<!tpu.dma_semaphore, #tpu.memory_space<semaphore_mem>>)
    %dma_wait3A = arith.constant 0 : i32
    %dma_wait3A_18 = tpu.memref_slice %arg5[%dma_wait3A] : memref<1040xf32, #tpu.memory_space<vmem>> -> memref<1024xf32, #tpu.memory_space<vmem>>
    %dma_wait3A_19 = arith.constant 0 : i32
    %dma_wait3A_20 = tpu.memref_slice %arg5[%dma_wait3A_19] : memref<1040xf32, #tpu.memory_space<vmem>> -> memref<1024xf32, #tpu.memory_space<vmem>>
    tpu.wait_dma2 semaphore(%arg16 : memref<!tpu.dma_semaphore, #tpu.memory_space<semaphore_mem>>) src(%arg3 : memref<1024xf32, #tpu.memory_space<hbm>>) dst(%dma_wait3A_20 : memref<1024xf32, #tpu.memory_space<vmem>>)
    %parallel_loop3A = arith.constant 0 : i32
    %parallel_loop3A_21 = arith.constant 1024 : i32
    %parallel_loop3A_22 = arith.constant 16 : i32
    scf.for %parallel_loop3A_39 = %parallel_loop3A to %parallel_loop3A_21 step %parallel_loop3A_22  : i32 {
      %parallel_loop3A_40 = arith.index_cast %parallel_loop3A_39 : i32 to index
      %parallel_loop3A_41 = tpu.vector_load %arg5[%parallel_loop3A_40] {strides = array<i32>} : memref<1040xf32, #tpu.memory_space<vmem>>, vector<16xf32>,
      %parallel_loop3A_42 = arith.constant 1 : i32
      %parallel_loop3A_43 = arith.addi %parallel_loop3A_39, %parallel_loop3A_42 : i32
      %parallel_loop3A_44 = arith.index_cast %parallel_loop3A_43 : i32 to index
      %parallel_loop3A_45 = tpu.vector_load %arg5[%parallel_loop3A_44] {strides = array<i32>} : memref<1040xf32, #tpu.memory_space<vmem>>, vector<16xf32>,
      %parallel_loop3A_46 = arith.subf %parallel_loop3A_45, %parallel_loop3A_41 : vector<16xf32>
      %parallel_loop3A_47 = tpu.iota {dimensions = array<i32: 0>} : vector<16xi32>
      %parallel_loop3A_48 = vector.broadcast %parallel_loop3A_39 : i32 to vector<16xi32>
      %parallel_loop3A_49 = arith.addi %parallel_loop3A_48, %parallel_loop3A_47 : vector<16xi32>
      %parallel_loop3A_50 = arith.sitofp %parallel_loop3A_49 : vector<16xi32> to vector<16xf32>
      %parallel_loop3A_51 = arith.index_cast %parallel_loop3A_39 : i32 to index
      %parallel_loop3A_52 = tpu.vector_load %arg7[%parallel_loop3A_51] {strides = array<i32>} : memref<1024xf32, #tpu.memory_space<vmem>>, vector<16xf32>,
      tpu.vector_store %arg7[%parallel_loop3A_51], %parallel_loop3A_46 {strides = array<i32>} : memref<1024xf32, #tpu.memory_space<vmem>>, vector<16xf32>,
      %parallel_loop3A_53 = arith.mulf %parallel_loop3A_50, %parallel_loop3A_46 : vector<16xf32>
      %parallel_loop3A_54 = arith.subf %parallel_loop3A_41, %parallel_loop3A_53 : vector<16xf32>
      %parallel_loop3A_55 = arith.index_cast %parallel_loop3A_39 : i32 to index
      %parallel_loop3A_56 = tpu.vector_load %arg6[%parallel_loop3A_55] {strides = array<i32>} : memref<1024xf32, #tpu.memory_space<vmem>>, vector<16xf32>,
      tpu.vector_store %arg6[%parallel_loop3A_55], %parallel_loop3A_54 {strides = array<i32>} : memref<1024xf32, #tpu.memory_space<vmem>>, vector<16xf32>,
    } {sc.loop_unroll_factor = 4 : i64, sc.parallel_access}
    %scan3A = arith.constant 0 : i32
    %scan3A_23 = arith.constant 16 : i32
    %scan3A_24 = arith.addi %scan3A, %scan3A_23 : i32
    %scan3A_25 = arith.constant 1 : i32
    scf.for %scan3A_39 = %scan3A to %scan3A_24 step %scan3A_25  : i32 {
      %mul3A_40 = arith.constant 2 : i32
      %mul3A_41 = arith.muli %scan3A_39, %mul3A_40 : i32
      %add3A_42 = arith.constant 0 : i32
      %add3A_43 = arith.addi %add3A_42, %mul3A_41 : i32
      %add3A_44 = arith.constant 0 : i32
      %add3A_45 = arith.addi %add3A_43, %add3A_44 : i32
      %add3A_46 = arith.constant 0 : i32
      %add3A_47 = arith.addi %mul3A_2, %add3A_46 : i32
      %dma_wait3A_48 = arith.constant 0 : i32
      %dma_wait3A_49 = tpu.memref_slice %arg2[%add3A_47, %dma_wait3A_48] : memref<4096x4096xf32, #tpu.memory_space<hbm>> -> memref<8x2048xf32, #tpu.memory_space<hbm>>
      %dma_wait3A_50 = arith.constant 0 : i32
      %dma_wait3A_51 = tpu.memref_slice %arg2[%add3A_47, %dma_wait3A_50] : memref<4096x4096xf32, #tpu.memory_space<hbm>> -> memref<8x2048xf32, #tpu.memory_space<hbm>>
      tpu.wait_dma2 semaphore(%arg12 : memref<!tpu.dma_semaphore, #tpu.memory_space<semaphore_mem>>) src(%dma_wait3A_51 : memref<8x2048xf32, #tpu.memory_space<hbm>>) dst(%arg8 : memref<8x2048xf32, #tpu.memory_space<vmem>>)
      %ge3A = arith.constant 2 : i32
      %ge3A_52 = arith.cmpi sge, %add3A_45, %ge3A : i32
      %convert_element_type3A = arith.extui %ge3A_52 : i1 to i32
      %cond3A = arith.constant 0 : i32
      %cond3A_53 = arith.cmpi ne, %convert_element_type3A, %cond3A : i32
      scf.if %cond3A_53 {
        %add3A_171 = arith.constant 0 : i32
        %add3A_172 = arith.addi %mul3A_2, %add3A_171 : i32
        %dma_wait3A_173 = arith.constant 0 : i32
        %dma_wait3A_174 = tpu.memref_slice %arg4[%add3A_172, %dma_wait3A_173] : memref<4096x4096xf32, #tpu.memory_space<hbm>> -> memref<8x2048xf32, #tpu.memory_space<hbm>>
        %dma_wait3A_175 = arith.constant 0 : i32
        %dma_wait3A_176 = tpu.memref_slice %arg4[%add3A_172, %dma_wait3A_175] : memref<4096x4096xf32, #tpu.memory_space<hbm>> -> memref<8x2048xf32, #tpu.memory_space<hbm>>
        tpu.wait_dma2 semaphore(%arg14 : memref<!tpu.dma_semaphore, #tpu.memory_space<semaphore_mem>>) src(%arg10 : memref<8x2048xf32, #tpu.memory_space<vmem>>) dst(%dma_wait3A_176 : memref<8x2048xf32, #tpu.memory_space<hbm>>)
      } else {
      }
      %parallel_loop3A_54 = arith.constant 0 : i32
      %parallel_loop3A_55 = arith.constant 2048 : i32
      %parallel_loop3A_56 = arith.constant 16 : i32
      scf.for %parallel_loop3A_171 = %parallel_loop3A_54 to %parallel_loop3A_55 step %parallel_loop3A_56  : i32 {
        %parallel_loop3A_172 = arith.constant 0 : i32
        %parallel_loop3A_173 = arith.index_cast %parallel_loop3A_172 : i32 to index
        %parallel_loop3A_174 = arith.index_cast %parallel_loop3A_171 : i32 to index
        %parallel_loop3A_175 = tpu.vector_load %arg8[%parallel_loop3A_173, %parallel_loop3A_174] {strides = array<i32>} : memref<8x2048xf32, #tpu.memory_space<vmem>>, vector<16xf32>,
        %parallel_loop3A_176 = arith.constant 0 : i32
        %parallel_loop3A_177 = arith.index_cast %parallel_loop3A_176 : i32 to index
        %parallel_loop3A_178 = arith.index_cast %parallel_loop3A_171 : i32 to index
        %parallel_loop3A_179 = tpu.vector_load %arg10[%parallel_loop3A_177, %parallel_loop3A_178] {strides = array<i32>} : memref<8x2048xf32, #tpu.memory_space<vmem>>, vector<16xf32>,
        tpu.vector_store %arg10[%parallel_loop3A_177, %parallel_loop3A_178], %parallel_loop3A_175 {strides = array<i32>} : memref<8x2048xf32, #tpu.memory_space<vmem>>, vector<16xf32>,
        %parallel_loop3A_180 = arith.constant 1 : i32
        %parallel_loop3A_181 = arith.index_cast %parallel_loop3A_180 : i32 to index
        %parallel_loop3A_182 = arith.index_cast %parallel_loop3A_171 : i32 to index
        %parallel_loop3A_183 = tpu.vector_load %arg8[%parallel_loop3A_181, %parallel_loop3A_182] {strides = array<i32>} : memref<8x2048xf32, #tpu.memory_space<vmem>>, vector<16xf32>,
        %parallel_loop3A_184 = arith.constant 1 : i32
        %parallel_loop3A_185 = arith.index_cast %parallel_loop3A_184 : i32 to index
        %parallel_loop3A_186 = arith.index_cast %parallel_loop3A_171 : i32 to index
        %parallel_loop3A_187 = tpu.vector_load %arg10[%parallel_loop3A_185, %parallel_loop3A_186] {strides = array<i32>} : memref<8x2048xf32, #tpu.memory_space<vmem>>, vector<16xf32>,
        tpu.vector_store %arg10[%parallel_loop3A_185, %parallel_loop3A_186], %parallel_loop3A_183 {strides = array<i32>} : memref<8x2048xf32, #tpu.memory_space<vmem>>, vector<16xf32>,
        %parallel_loop3A_188 = arith.constant 2 : i32
        %parallel_loop3A_189 = arith.index_cast %parallel_loop3A_188 : i32 to index
        %parallel_loop3A_190 = arith.index_cast %parallel_loop3A_171 : i32 to index
        %parallel_loop3A_191 = tpu.vector_load %arg8[%parallel_loop3A_189, %parallel_loop3A_190] {strides = array<i32>} : memref<8x2048xf32, #tpu.memory_space<vmem>>, vector<16xf32>,
        %parallel_loop3A_192 = arith.constant 2 : i32
        %parallel_loop3A_193 = arith.index_cast %parallel_loop3A_192 : i32 to index
        %parallel_loop3A_194 = arith.index_cast %parallel_loop3A_171 : i32 to index
        %parallel_loop3A_195 = tpu.vector_load %arg10[%parallel_loop3A_193, %parallel_loop3A_194] {strides = array<i32>} : memref<8x2048xf32, #tpu.memory_space<vmem>>, vector<16xf32>,
        tpu.vector_store %arg10[%parallel_loop3A_193, %parallel_loop3A_194], %parallel_loop3A_191 {strides = array<i32>} : memref<8x2048xf32, #tpu.memory_space<vmem>>, vector<16xf32>,
        %parallel_loop3A_196 = arith.constant 3 : i32
        %parallel_loop3A_197 = arith.index_cast %parallel_loop3A_196 : i32 to index
        %parallel_loop3A_198 = arith.index_cast %parallel_loop3A_171 : i32 to index
        %parallel_loop3A_199 = tpu.vector_load %arg8[%parallel_loop3A_197, %parallel_loop3A_198] {strides = array<i32>} : memref<8x2048xf32, #tpu.memory_space<vmem>>, vector<16xf32>,
        %parallel_loop3A_200 = arith.constant 3 : i32
        %parallel_loop3A_201 = arith.index_cast %parallel_loop3A_200 : i32 to index
        %parallel_loop3A_202 = arith.index_cast %parallel_loop3A_171 : i32 to index
        %parallel_loop3A_203 = tpu.vector_load %arg10[%parallel_loop3A_201, %parallel_loop3A_202] {strides = array<i32>} : memref<8x2048xf32, #tpu.memory_space<vmem>>, vector<16xf32>,
        tpu.vector_store %arg10[%parallel_loop3A_201, %parallel_loop3A_202], %parallel_loop3A_199 {strides = array<i32>} : memref<8x2048xf32, #tpu.memory_space<vmem>>, vector<16xf32>,
        %parallel_loop3A_204 = arith.constant 4 : i32
        %parallel_loop3A_205 = arith.index_cast %parallel_loop3A_204 : i32 to index
        %parallel_loop3A_206 = arith.index_cast %parallel_loop3A_171 : i32 to index
        %parallel_loop3A_207 = tpu.vector_load %arg8[%parallel_loop3A_205, %parallel_loop3A_206] {strides = array<i32>} : memref<8x2048xf32, #tpu.memory_space<vmem>>, vector<16xf32>,
        %parallel_loop3A_208 = arith.constant 4 : i32
        %parallel_loop3A_209 = arith.index_cast %parallel_loop3A_208 : i32 to index
        %parallel_loop3A_210 = arith.index_cast %parallel_loop3A_171 : i32 to index
        %parallel_loop3A_211 = tpu.vector_load %arg10[%parallel_loop3A_209, %parallel_loop3A_210] {strides = array<i32>} : memref<8x2048xf32, #tpu.memory_space<vmem>>, vector<16xf32>,
        tpu.vector_store %arg10[%parallel_loop3A_209, %parallel_loop3A_210], %parallel_loop3A_207 {strides = array<i32>} : memref<8x2048xf32, #tpu.memory_space<vmem>>, vector<16xf32>,
        %parallel_loop3A_212 = arith.constant 5 : i32
        %parallel_loop3A_213 = arith.index_cast %parallel_loop3A_212 : i32 to index
        %parallel_loop3A_214 = arith.index_cast %parallel_loop3A_171 : i32 to index
        %parallel_loop3A_215 = tpu.vector_load %arg8[%parallel_loop3A_213, %parallel_loop3A_214] {strides = array<i32>} : memref<8x2048xf32, #tpu.memory_space<vmem>>, vector<16xf32>,
        %parallel_loop3A_216 = arith.constant 5 : i32
        %parallel_loop3A_217 = arith.index_cast %parallel_loop3A_216 : i32 to index
        %parallel_loop3A_218 = arith.index_cast %parallel_loop3A_171 : i32 to index
        %parallel_loop3A_219 = tpu.vector_load %arg10[%parallel_loop3A_217, %parallel_loop3A_218] {strides = array<i32>} : memref<8x2048xf32, #tpu.memory_space<vmem>>, vector<16xf32>,
        tpu.vector_store %arg10[%parallel_loop3A_217, %parallel_loop3A_218], %parallel_loop3A_215 {strides = array<i32>} : memref<8x2048xf32, #tpu.memory_space<vmem>>, vector<16xf32>,
        %parallel_loop3A_220 = arith.constant 6 : i32
        %parallel_loop3A_221 = arith.index_cast %parallel_loop3A_220 : i32 to index
        %parallel_loop3A_222 = arith.index_cast %parallel_loop3A_171 : i32 to index
        %parallel_loop3A_223 = tpu.vector_load %arg8[%parallel_loop3A_221, %parallel_loop3A_222] {strides = array<i32>} : memref<8x2048xf32, #tpu.memory_space<vmem>>, vector<16xf32>,
        %parallel_loop3A_224 = arith.constant 6 : i32
        %parallel_loop3A_225 = arith.index_cast %parallel_loop3A_224 : i32 to index
        %parallel_loop3A_226 = arith.index_cast %parallel_loop3A_171 : i32 to index
        %parallel_loop3A_227 = tpu.vector_load %arg10[%parallel_loop3A_225, %parallel_loop3A_226] {strides = array<i32>} : memref<8x2048xf32, #tpu.memory_space<vmem>>, vector<16xf32>,
        tpu.vector_store %arg10[%parallel_loop3A_225, %parallel_loop3A_226], %parallel_loop3A_223 {strides = array<i32>} : memref<8x2048xf32, #tpu.memory_space<vmem>>, vector<16xf32>,
        %parallel_loop3A_228 = arith.constant 7 : i32
        %parallel_loop3A_229 = arith.index_cast %parallel_loop3A_228 : i32 to index
        %parallel_loop3A_230 = arith.index_cast %parallel_loop3A_171 : i32 to index
        %parallel_loop3A_231 = tpu.vector_load %arg8[%parallel_loop3A_229, %parallel_loop3A_230] {strides = array<i32>} : memref<8x2048xf32, #tpu.memory_space<vmem>>, vector<16xf32>,
        %parallel_loop3A_232 = arith.constant 7 : i32
        %parallel_loop3A_233 = arith.index_cast %parallel_loop3A_232 : i32 to index
        %parallel_loop3A_234 = arith.index_cast %parallel_loop3A_171 : i32 to index
        %parallel_loop3A_235 = tpu.vector_load %arg10[%parallel_loop3A_233, %parallel_loop3A_234] {strides = array<i32>} : memref<8x2048xf32, #tpu.memory_space<vmem>>, vector<16xf32>,
        tpu.vector_store %arg10[%parallel_loop3A_233, %parallel_loop3A_234], %parallel_loop3A_231 {strides = array<i32>} : memref<8x2048xf32, #tpu.memory_space<vmem>>, vector<16xf32>,
      } {sc.loop_unroll_factor = 1 : i64, sc.parallel_access}
      %jit3A = arith.constant 2 : i32
      %div3A = arith.divsi %add3A_45, %jit3A : i32
      %sign3A = arith.constant 0 : i32
      %sign3A_57 = arith.cmpi sgt, %add3A_45, %sign3A : i32
      %sign3A_58 = arith.extui %sign3A_57 : i1 to i32
      %sign3A_59 = arith.constant 0 : i32
      %sign3A_60 = arith.cmpi slt, %add3A_45, %sign3A_59 : i32
      %sign3A_61 = arith.extui %sign3A_60 : i1 to i32
      %sign3A_62 = arith.subi %sign3A_58, %sign3A_61 : i32
      %sign3A_63 = arith.constant 0 : i32
      %sign3A_64 = arith.cmpi sgt, %jit3A, %sign3A_63 : i32
      %sign3A_65 = arith.extui %sign3A_64 : i1 to i32
      %sign3A_66 = arith.constant 0 : i32
      %sign3A_67 = arith.cmpi slt, %jit3A, %sign3A_66 : i32
      %sign3A_68 = arith.extui %sign3A_67 : i1 to i32
      %sign3A_69 = arith.subi %sign3A_65, %sign3A_68 : i32
      %ne3A = arith.cmpi ne, %sign3A_62, %sign3A_69 : i32
      %rem3A = arith.remsi %add3A_45, %jit3A : i32
      %ne3A_70 = arith.constant 0 : i32
      %ne3A_71 = arith.cmpi ne, %rem3A, %ne3A_70 : i32
      %and3A = arith.andi %ne3A, %ne3A_71 : i1
      %sub3A = arith.constant 1 : i32
      %sub3A_72 = arith.subi %div3A, %sub3A : i32
      %select_n3A = arith.select %and3A, %sub3A_72, %div3A : i32
      %mul3A_73 = arith.constant 8 : i32
      %mul3A_74 = arith.muli %select_n3A, %mul3A_73 : i32
      %add3A_75 = arith.addi %mul3A_2, %mul3A_74 : i32
      %jit3A_76 = arith.constant 2 : i32
      %eq3A = arith.constant 0 : i32
      %eq3A_77 = arith.cmpi eq, %jit3A_76, %eq3A : i32
      %jit3A_78 = arith.constant 1 : i32
      %select_n3A_79 = arith.select %eq3A_77, %jit3A_78, %jit3A_76 : i32
      %rem3A_80 = arith.remsi %add3A_45, %select_n3A_79 : i32
      %ne3A_81 = arith.constant 0 : i32
      %ne3A_82 = arith.cmpi ne, %rem3A_80, %ne3A_81 : i32
      %lt3A = arith.constant 0 : i32
      %lt3A_83 = arith.cmpi slt, %rem3A_80, %lt3A : i32
      %lt3A_84 = arith.constant 0 : i32
      %lt3A_85 = arith.cmpi slt, %select_n3A_79, %lt3A_84 : i32
      %ne3A_86 = arith.xori %lt3A_83, %lt3A_85 : i1
      %and3A_87 = arith.andi %ne3A_86, %ne3A_82 : i1
      %add3A_88 = arith.addi %rem3A_80, %select_n3A_79 : i32
      %select_n3A_89 = arith.select %and3A_87, %add3A_88, %rem3A_80 : i32
      %mul3A_90 = arith.constant 2048 : i32
      %mul3A_91 = arith.muli %select_n3A_89, %mul3A_90 : i32
      %dma_start3A_92 = tpu.memref_slice %arg4[%add3A_75, %mul3A_91] : memref<4096x4096xf32, #tpu.memory_space<hbm>> -> memref<8x2048xf32, #tpu.memory_space<hbm>>
      %dma_start3A_93 = tpu.memref_slice %arg4[%add3A_75, %mul3A_91] : memref<4096x4096xf32, #tpu.memory_space<hbm>> -> memref<8x2048xf32, #tpu.memory_space<hbm>>
      tpu.enqueue_dma source(%arg10 : memref<8x2048xf32, #tpu.memory_space<vmem>>) target(%dma_start3A_93 : memref<8x2048xf32, #tpu.memory_space<hbm>>) target_semaphore(%arg14 : memref<!tpu.dma_semaphore, #tpu.memory_space<semaphore_mem>>)
      %add3A_94 = arith.constant 2 : i32
      %add3A_95 = arith.addi %add3A_45, %add3A_94 : i32
      %lt3A_96 = arith.constant 32 : i32
      %lt3A_97 = arith.cmpi slt, %add3A_95, %lt3A_96 : i32
      %convert_element_type3A_98 = arith.extui %lt3A_97 : i1 to i32
      %cond3A_99 = arith.constant 0 : i32
      %cond3A_100 = arith.cmpi ne, %convert_element_type3A_98, %cond3A_99 : i32
      scf.if %cond3A_100 {
        %add3A_171 = arith.constant 2 : i32
        %add3A_172 = arith.addi %add3A_45, %add3A_171 : i32
        %jit3A_173 = arith.constant 2 : i32
        %div3A_174 = arith.divsi %add3A_172, %jit3A_173 : i32
        %sign3A_175 = arith.constant 0 : i32
        %sign3A_176 = arith.cmpi sgt, %add3A_172, %sign3A_175 : i32
        %sign3A_177 = arith.extui %sign3A_176 : i1 to i32
        %sign3A_178 = arith.constant 0 : i32
        %sign3A_179 = arith.cmpi slt, %add3A_172, %sign3A_178 : i32
        %sign3A_180 = arith.extui %sign3A_179 : i1 to i32
        %sign3A_181 = arith.subi %sign3A_177, %sign3A_180 : i32
        %sign3A_182 = arith.constant 0 : i32
        %sign3A_183 = arith.cmpi sgt, %jit3A_173, %sign3A_182 : i32
        %sign3A_184 = arith.extui %sign3A_183 : i1 to i32
        %sign3A_185 = arith.constant 0 : i32
        %sign3A_186 = arith.cmpi slt, %jit3A_173, %sign3A_185 : i32
        %sign3A_187 = arith.extui %sign3A_186 : i1 to i32
        %sign3A_188 = arith.subi %sign3A_184, %sign3A_187 : i32
        %ne3A_189 = arith.cmpi ne, %sign3A_181, %sign3A_188 : i32
        %rem3A_190 = arith.remsi %add3A_172, %jit3A_173 : i32
        %ne3A_191 = arith.constant 0 : i32
        %ne3A_192 = arith.cmpi ne, %rem3A_190, %ne3A_191 : i32
        %and3A_193 = arith.andi %ne3A_189, %ne3A_192 : i1
        %sub3A_194 = arith.constant 1 : i32
        %sub3A_195 = arith.subi %div3A_174, %sub3A_194 : i32
        %select_n3A_196 = arith.select %and3A_193, %sub3A_195, %div3A_174 : i32
        %mul3A_197 = arith.constant 8 : i32
        %mul3A_198 = arith.muli %select_n3A_196, %mul3A_197 : i32
        %add3A_199 = arith.addi %mul3A_2, %mul3A_198 : i32
        %jit3A_200 = arith.constant 2 : i32
        %eq3A_201 = arith.constant 0 : i32
        %eq3A_202 = arith.cmpi eq, %jit3A_200, %eq3A_201 : i32
        %jit3A_203 = arith.constant 1 : i32
        %select_n3A_204 = arith.select %eq3A_202, %jit3A_203, %jit3A_200 : i32
        %rem3A_205 = arith.remsi %add3A_172, %select_n3A_204 : i32
        %ne3A_206 = arith.constant 0 : i32
        %ne3A_207 = arith.cmpi ne, %rem3A_205, %ne3A_206 : i32
        %lt3A_208 = arith.constant 0 : i32
        %lt3A_209 = arith.cmpi slt, %rem3A_205, %lt3A_208 : i32
        %lt3A_210 = arith.constant 0 : i32
        %lt3A_211 = arith.cmpi slt, %select_n3A_204, %lt3A_210 : i32
        %ne3A_212 = arith.xori %lt3A_209, %lt3A_211 : i1
        %and3A_213 = arith.andi %ne3A_212, %ne3A_207 : i1
        %add3A_214 = arith.addi %rem3A_205, %select_n3A_204 : i32
        %select_n3A_215 = arith.select %and3A_213, %add3A_214, %rem3A_205 : i32
        %mul3A_216 = arith.constant 2048 : i32
        %mul3A_217 = arith.muli %select_n3A_215, %mul3A_216 : i32
        %dma_start3A_218 = tpu.memref_slice %arg2[%add3A_199, %mul3A_217] : memref<4096x4096xf32, #tpu.memory_space<hbm>> -> memref<8x2048xf32, #tpu.memory_space<hbm>>
        %dma_start3A_219 = tpu.memref_slice %arg2[%add3A_199, %mul3A_217] : memref<4096x4096xf32, #tpu.memory_space<hbm>> -> memref<8x2048xf32, #tpu.memory_space<hbm>>
        tpu.enqueue_dma source(%dma_start3A_219 : memref<8x2048xf32, #tpu.memory_space<hbm>>) target(%arg8 : memref<8x2048xf32, #tpu.memory_space<vmem>>) target_semaphore(%arg12 : memref<!tpu.dma_semaphore, #tpu.memory_space<semaphore_mem>>)
      } else {
      }
      %add3A_101 = arith.constant 1 : i32
      %add3A_102 = arith.addi %add3A_43, %add3A_101 : i32
      %add3A_103 = arith.constant 0 : i32
      %add3A_104 = arith.addi %mul3A_2, %add3A_103 : i32
      %dma_wait3A_105 = arith.constant 0 : i32
      %dma_wait3A_106 = tpu.memref_slice %arg2[%add3A_104, %dma_wait3A_105] : memref<4096x4096xf32, #tpu.memory_space<hbm>> -> memref<8x2048xf32, #tpu.memory_space<hbm>>
      %dma_wait3A_107 = arith.constant 0 : i32
      %dma_wait3A_108 = tpu.memref_slice %arg2[%add3A_104, %dma_wait3A_107] : memref<4096x4096xf32, #tpu.memory_space<hbm>> -> memref<8x2048xf32, #tpu.memory_space<hbm>>
      tpu.wait_dma2 semaphore(%arg13 : memref<!tpu.dma_semaphore, #tpu.memory_space<semaphore_mem>>) src(%dma_wait3A_108 : memref<8x2048xf32, #tpu.memory_space<hbm>>) dst(%arg9 : memref<8x2048xf32, #tpu.memory_space<vmem>>)
      %ge3A_109 = arith.constant 2 : i32
      %ge3A_110 = arith.cmpi sge, %add3A_102, %ge3A_109 : i32
      %convert_element_type3A_111 = arith.extui %ge3A_110 : i1 to i32
      %cond3A_112 = arith.constant 0 : i32
      %cond3A_113 = arith.cmpi ne, %convert_element_type3A_111, %cond3A_112 : i32
      scf.if %cond3A_113 {
        %add3A_171 = arith.constant 0 : i32
        %add3A_172 = arith.addi %mul3A_2, %add3A_171 : i32
        %dma_wait3A_173 = arith.constant 0 : i32
        %dma_wait3A_174 = tpu.memref_slice %arg4[%add3A_172, %dma_wait3A_173] : memref<4096x4096xf32, #tpu.memory_space<hbm>> -> memref<8x2048xf32, #tpu.memory_space<hbm>>
        %dma_wait3A_175 = arith.constant 0 : i32
        %dma_wait3A_176 = tpu.memref_slice %arg4[%add3A_172, %dma_wait3A_175] : memref<4096x4096xf32, #tpu.memory_space<hbm>> -> memref<8x2048xf32, #tpu.memory_space<hbm>>
        tpu.wait_dma2 semaphore(%arg15 : memref<!tpu.dma_semaphore, #tpu.memory_space<semaphore_mem>>) src(%arg11 : memref<8x2048xf32, #tpu.memory_space<vmem>>) dst(%dma_wait3A_176 : memref<8x2048xf32, #tpu.memory_space<hbm>>)
      } else {
      }
      %parallel_loop3A_114 = arith.constant 0 : i32
      %parallel_loop3A_115 = arith.constant 2048 : i32
      %parallel_loop3A_116 = arith.constant 16 : i32
      scf.for %parallel_loop3A_171 = %parallel_loop3A_114 to %parallel_loop3A_115 step %parallel_loop3A_116  : i32 {
        %parallel_loop3A_172 = arith.constant 0 : i32
        %parallel_loop3A_173 = arith.index_cast %parallel_loop3A_172 : i32 to index
        %parallel_loop3A_174 = arith.index_cast %parallel_loop3A_171 : i32 to index
        %parallel_loop3A_175 = tpu.vector_load %arg9[%parallel_loop3A_173, %parallel_loop3A_174] {strides = array<i32>} : memref<8x2048xf32, #tpu.memory_space<vmem>>, vector<16xf32>,
        %parallel_loop3A_176 = arith.constant 0 : i32
        %parallel_loop3A_177 = arith.index_cast %parallel_loop3A_176 : i32 to index
        %parallel_loop3A_178 = arith.index_cast %parallel_loop3A_171 : i32 to index
        %parallel_loop3A_179 = tpu.vector_load %arg11[%parallel_loop3A_177, %parallel_loop3A_178] {strides = array<i32>} : memref<8x2048xf32, #tpu.memory_space<vmem>>, vector<16xf32>,
        tpu.vector_store %arg11[%parallel_loop3A_177, %parallel_loop3A_178], %parallel_loop3A_175 {strides = array<i32>} : memref<8x2048xf32, #tpu.memory_space<vmem>>, vector<16xf32>,
        %parallel_loop3A_180 = arith.constant 1 : i32
        %parallel_loop3A_181 = arith.index_cast %parallel_loop3A_180 : i32 to index
        %parallel_loop3A_182 = arith.index_cast %parallel_loop3A_171 : i32 to index
        %parallel_loop3A_183 = tpu.vector_load %arg9[%parallel_loop3A_181, %parallel_loop3A_182] {strides = array<i32>} : memref<8x2048xf32, #tpu.memory_space<vmem>>, vector<16xf32>,
        %parallel_loop3A_184 = arith.constant 1 : i32
        %parallel_loop3A_185 = arith.index_cast %parallel_loop3A_184 : i32 to index
        %parallel_loop3A_186 = arith.index_cast %parallel_loop3A_171 : i32 to index
        %parallel_loop3A_187 = tpu.vector_load %arg11[%parallel_loop3A_185, %parallel_loop3A_186] {strides = array<i32>} : memref<8x2048xf32, #tpu.memory_space<vmem>>, vector<16xf32>,
        tpu.vector_store %arg11[%parallel_loop3A_185, %parallel_loop3A_186], %parallel_loop3A_183 {strides = array<i32>} : memref<8x2048xf32, #tpu.memory_space<vmem>>, vector<16xf32>,
        %parallel_loop3A_188 = arith.constant 2 : i32
        %parallel_loop3A_189 = arith.index_cast %parallel_loop3A_188 : i32 to index
        %parallel_loop3A_190 = arith.index_cast %parallel_loop3A_171 : i32 to index
        %parallel_loop3A_191 = tpu.vector_load %arg9[%parallel_loop3A_189, %parallel_loop3A_190] {strides = array<i32>} : memref<8x2048xf32, #tpu.memory_space<vmem>>, vector<16xf32>,
        %parallel_loop3A_192 = arith.constant 2 : i32
        %parallel_loop3A_193 = arith.index_cast %parallel_loop3A_192 : i32 to index
        %parallel_loop3A_194 = arith.index_cast %parallel_loop3A_171 : i32 to index
        %parallel_loop3A_195 = tpu.vector_load %arg11[%parallel_loop3A_193, %parallel_loop3A_194] {strides = array<i32>} : memref<8x2048xf32, #tpu.memory_space<vmem>>, vector<16xf32>,
        tpu.vector_store %arg11[%parallel_loop3A_193, %parallel_loop3A_194], %parallel_loop3A_191 {strides = array<i32>} : memref<8x2048xf32, #tpu.memory_space<vmem>>, vector<16xf32>,
        %parallel_loop3A_196 = arith.constant 3 : i32
        %parallel_loop3A_197 = arith.index_cast %parallel_loop3A_196 : i32 to index
        %parallel_loop3A_198 = arith.index_cast %parallel_loop3A_171 : i32 to index
        %parallel_loop3A_199 = tpu.vector_load %arg9[%parallel_loop3A_197, %parallel_loop3A_198] {strides = array<i32>} : memref<8x2048xf32, #tpu.memory_space<vmem>>, vector<16xf32>,
        %parallel_loop3A_200 = arith.constant 3 : i32
        %parallel_loop3A_201 = arith.index_cast %parallel_loop3A_200 : i32 to index
        %parallel_loop3A_202 = arith.index_cast %parallel_loop3A_171 : i32 to index
        %parallel_loop3A_203 = tpu.vector_load %arg11[%parallel_loop3A_201, %parallel_loop3A_202] {strides = array<i32>} : memref<8x2048xf32, #tpu.memory_space<vmem>>, vector<16xf32>,
        tpu.vector_store %arg11[%parallel_loop3A_201, %parallel_loop3A_202], %parallel_loop3A_199 {strides = array<i32>} : memref<8x2048xf32, #tpu.memory_space<vmem>>, vector<16xf32>,
        %parallel_loop3A_204 = arith.constant 4 : i32
        %parallel_loop3A_205 = arith.index_cast %parallel_loop3A_204 : i32 to index
        %parallel_loop3A_206 = arith.index_cast %parallel_loop3A_171 : i32 to index
        %parallel_loop3A_207 = tpu.vector_load %arg9[%parallel_loop3A_205, %parallel_loop3A_206] {strides = array<i32>} : memref<8x2048xf32, #tpu.memory_space<vmem>>, vector<16xf32>,
        %parallel_loop3A_208 = arith.constant 4 : i32
        %parallel_loop3A_209 = arith.index_cast %parallel_loop3A_208 : i32 to index
        %parallel_loop3A_210 = arith.index_cast %parallel_loop3A_171 : i32 to index
        %parallel_loop3A_211 = tpu.vector_load %arg11[%parallel_loop3A_209, %parallel_loop3A_210] {strides = array<i32>} : memref<8x2048xf32, #tpu.memory_space<vmem>>, vector<16xf32>,
        tpu.vector_store %arg11[%parallel_loop3A_209, %parallel_loop3A_210], %parallel_loop3A_207 {strides = array<i32>} : memref<8x2048xf32, #tpu.memory_space<vmem>>, vector<16xf32>,
        %parallel_loop3A_212 = arith.constant 5 : i32
        %parallel_loop3A_213 = arith.index_cast %parallel_loop3A_212 : i32 to index
        %parallel_loop3A_214 = arith.index_cast %parallel_loop3A_171 : i32 to index
        %parallel_loop3A_215 = tpu.vector_load %arg9[%parallel_loop3A_213, %parallel_loop3A_214] {strides = array<i32>} : memref<8x2048xf32, #tpu.memory_space<vmem>>, vector<16xf32>,
        %parallel_loop3A_216 = arith.constant 5 : i32
        %parallel_loop3A_217 = arith.index_cast %parallel_loop3A_216 : i32 to index
        %parallel_loop3A_218 = arith.index_cast %parallel_loop3A_171 : i32 to index
        %parallel_loop3A_219 = tpu.vector_load %arg11[%parallel_loop3A_217, %parallel_loop3A_218] {strides = array<i32>} : memref<8x2048xf32, #tpu.memory_space<vmem>>, vector<16xf32>,
        tpu.vector_store %arg11[%parallel_loop3A_217, %parallel_loop3A_218], %parallel_loop3A_215 {strides = array<i32>} : memref<8x2048xf32, #tpu.memory_space<vmem>>, vector<16xf32>,
        %parallel_loop3A_220 = arith.constant 6 : i32
        %parallel_loop3A_221 = arith.index_cast %parallel_loop3A_220 : i32 to index
        %parallel_loop3A_222 = arith.index_cast %parallel_loop3A_171 : i32 to index
        %parallel_loop3A_223 = tpu.vector_load %arg9[%parallel_loop3A_221, %parallel_loop3A_222] {strides = array<i32>} : memref<8x2048xf32, #tpu.memory_space<vmem>>, vector<16xf32>,
        %parallel_loop3A_224 = arith.constant 6 : i32
        %parallel_loop3A_225 = arith.index_cast %parallel_loop3A_224 : i32 to index
        %parallel_loop3A_226 = arith.index_cast %parallel_loop3A_171 : i32 to index
        %parallel_loop3A_227 = tpu.vector_load %arg11[%parallel_loop3A_225, %parallel_loop3A_226] {strides = array<i32>} : memref<8x2048xf32, #tpu.memory_space<vmem>>, vector<16xf32>,
        tpu.vector_store %arg11[%parallel_loop3A_225, %parallel_loop3A_226], %parallel_loop3A_223 {strides = array<i32>} : memref<8x2048xf32, #tpu.memory_space<vmem>>, vector<16xf32>,
        %parallel_loop3A_228 = arith.constant 7 : i32
        %parallel_loop3A_229 = arith.index_cast %parallel_loop3A_228 : i32 to index
        %parallel_loop3A_230 = arith.index_cast %parallel_loop3A_171 : i32 to index
        %parallel_loop3A_231 = tpu.vector_load %arg9[%parallel_loop3A_229, %parallel_loop3A_230] {strides = array<i32>} : memref<8x2048xf32, #tpu.memory_space<vmem>>, vector<16xf32>,
        %parallel_loop3A_232 = arith.constant 7 : i32
        %parallel_loop3A_233 = arith.index_cast %parallel_loop3A_232 : i32 to index
        %parallel_loop3A_234 = arith.index_cast %parallel_loop3A_171 : i32 to index
        %parallel_loop3A_235 = tpu.vector_load %arg11[%parallel_loop3A_233, %parallel_loop3A_234] {strides = array<i32>} : memref<8x2048xf32, #tpu.memory_space<vmem>>, vector<16xf32>,
        tpu.vector_store %arg11[%parallel_loop3A_233, %parallel_loop3A_234], %parallel_loop3A_231 {strides = array<i32>} : memref<8x2048xf32, #tpu.memory_space<vmem>>, vector<16xf32>,
      } {sc.loop_unroll_factor = 1 : i64, sc.parallel_access}
      %jit3A_117 = arith.constant 2 : i32
      %div3A_118 = arith.divsi %add3A_102, %jit3A_117 : i32
      %sign3A_119 = arith.constant 0 : i32
      %sign3A_120 = arith.cmpi sgt, %add3A_102, %sign3A_119 : i32
      %sign3A_121 = arith.extui %sign3A_120 : i1 to i32
      %sign3A_122 = arith.constant 0 : i32
      %sign3A_123 = arith.cmpi slt, %add3A_102, %sign3A_122 : i32
      %sign3A_124 = arith.extui %sign3A_123 : i1 to i32
      %sign3A_125 = arith.subi %sign3A_121, %sign3A_124 : i32
      %sign3A_126 = arith.constant 0 : i32
      %sign3A_127 = arith.cmpi sgt, %jit3A_117, %sign3A_126 : i32
      %sign3A_128 = arith.extui %sign3A_127 : i1 to i32
      %sign3A_129 = arith.constant 0 : i32
      %sign3A_130 = arith.cmpi slt, %jit3A_117, %sign3A_129 : i32
      %sign3A_131 = arith.extui %sign3A_130 : i1 to i32
      %sign3A_132 = arith.subi %sign3A_128, %sign3A_131 : i32
      %ne3A_133 = arith.cmpi ne, %sign3A_125, %sign3A_132 : i32
      %rem3A_134 = arith.remsi %add3A_102, %jit3A_117 : i32
      %ne3A_135 = arith.constant 0 : i32
      %ne3A_136 = arith.cmpi ne, %rem3A_134, %ne3A_135 : i32
      %and3A_137 = arith.andi %ne3A_133, %ne3A_136 : i1
      %sub3A_138 = arith.constant 1 : i32
      %sub3A_139 = arith.subi %div3A_118, %sub3A_138 : i32
      %select_n3A_140 = arith.select %and3A_137, %sub3A_139, %div3A_118 : i32
      %mul3A_141 = arith.constant 8 : i32
      %mul3A_142 = arith.muli %select_n3A_140, %mul3A_141 : i32
      %add3A_143 = arith.addi %mul3A_2, %mul3A_142 : i32
      %jit3A_144 = arith.constant 2 : i32
      %eq3A_145 = arith.constant 0 : i32
      %eq3A_146 = arith.cmpi eq, %jit3A_144, %eq3A_145 : i32
      %jit3A_147 = arith.constant 1 : i32
      %select_n3A_148 = arith.select %eq3A_146, %jit3A_147, %jit3A_144 : i32
      %rem3A_149 = arith.remsi %add3A_102, %select_n3A_148 : i32
      %ne3A_150 = arith.constant 0 : i32
      %ne3A_151 = arith.cmpi ne, %rem3A_149, %ne3A_150 : i32
      %lt3A_152 = arith.constant 0 : i32
      %lt3A_153 = arith.cmpi slt, %rem3A_149, %lt3A_152 : i32
      %lt3A_154 = arith.constant 0 : i32
      %lt3A_155 = arith.cmpi slt, %select_n3A_148, %lt3A_154 : i32
      %ne3A_156 = arith.xori %lt3A_153, %lt3A_155 : i1
      %and3A_157 = arith.andi %ne3A_156, %ne3A_151 : i1
      %add3A_158 = arith.addi %rem3A_149, %select_n3A_148 : i32
      %select_n3A_159 = arith.select %and3A_157, %add3A_158, %rem3A_149 : i32
      %mul3A_160 = arith.constant 2048 : i32
      %mul3A_161 = arith.muli %select_n3A_159, %mul3A_160 : i32
      %dma_start3A_162 = tpu.memref_slice %arg4[%add3A_143, %mul3A_161] : memref<4096x4096xf32, #tpu.memory_space<hbm>> -> memref<8x2048xf32, #tpu.memory_space<hbm>>
      %dma_start3A_163 = tpu.memref_slice %arg4[%add3A_143, %mul3A_161] : memref<4096x4096xf32, #tpu.memory_space<hbm>> -> memref<8x2048xf32, #tpu.memory_space<hbm>>
      tpu.enqueue_dma source(%arg11 : memref<8x2048xf32, #tpu.memory_space<vmem>>) target(%dma_start3A_163 : memref<8x2048xf32, #tpu.memory_space<hbm>>) target_semaphore(%arg15 : memref<!tpu.dma_semaphore, #tpu.memory_space<semaphore_mem>>)
      %add3A_164 = arith.constant 2 : i32
      %add3A_165 = arith.addi %add3A_102, %add3A_164 : i32
      %lt3A_166 = arith.constant 32 : i32
      %lt3A_167 = arith.cmpi slt, %add3A_165, %lt3A_166 : i32
      %convert_element_type3A_168 = arith.extui %lt3A_167 : i1 to i32
      %cond3A_169 = arith.constant 0 : i32
      %cond3A_170 = arith.cmpi ne, %convert_element_type3A_168, %cond3A_169 : i32
      scf.if %cond3A_170 {
        %add3A_171 = arith.constant 2 : i32
        %add3A_172 = arith.addi %add3A_102, %add3A_171 : i32
        %jit3A_173 = arith.constant 2 : i32
        %div3A_174 = arith.divsi %add3A_172, %jit3A_173 : i32
        %sign3A_175 = arith.constant 0 : i32
        %sign3A_176 = arith.cmpi sgt, %add3A_172, %sign3A_175 : i32
        %sign3A_177 = arith.extui %sign3A_176 : i1 to i32
        %sign3A_178 = arith.constant 0 : i32
        %sign3A_179 = arith.cmpi slt, %add3A_172, %sign3A_178 : i32
        %sign3A_180 = arith.extui %sign3A_179 : i1 to i32
        %sign3A_181 = arith.subi %sign3A_177, %sign3A_180 : i32
        %sign3A_182 = arith.constant 0 : i32
        %sign3A_183 = arith.cmpi sgt, %jit3A_173, %sign3A_182 : i32
        %sign3A_184 = arith.extui %sign3A_183 : i1 to i32
        %sign3A_185 = arith.constant 0 : i32
        %sign3A_186 = arith.cmpi slt, %jit3A_173, %sign3A_185 : i32
        %sign3A_187 = arith.extui %sign3A_186 : i1 to i32
        %sign3A_188 = arith.subi %sign3A_184, %sign3A_187 : i32
        %ne3A_189 = arith.cmpi ne, %sign3A_181, %sign3A_188 : i32
        %rem3A_190 = arith.remsi %add3A_172, %jit3A_173 : i32
        %ne3A_191 = arith.constant 0 : i32
        %ne3A_192 = arith.cmpi ne, %rem3A_190, %ne3A_191 : i32
        %and3A_193 = arith.andi %ne3A_189, %ne3A_192 : i1
        %sub3A_194 = arith.constant 1 : i32
        %sub3A_195 = arith.subi %div3A_174, %sub3A_194 : i32
        %select_n3A_196 = arith.select %and3A_193, %sub3A_195, %div3A_174 : i32
        %mul3A_197 = arith.constant 8 : i32
        %mul3A_198 = arith.muli %select_n3A_196, %mul3A_197 : i32
        %add3A_199 = arith.addi %mul3A_2, %mul3A_198 : i32
        %jit3A_200 = arith.constant 2 : i32
        %eq3A_201 = arith.constant 0 : i32
        %eq3A_202 = arith.cmpi eq, %jit3A_200, %eq3A_201 : i32
        %jit3A_203 = arith.constant 1 : i32
        %select_n3A_204 = arith.select %eq3A_202, %jit3A_203, %jit3A_200 : i32
        %rem3A_205 = arith.remsi %add3A_172, %select_n3A_204 : i32
        %ne3A_206 = arith.constant 0 : i32
        %ne3A_207 = arith.cmpi ne, %rem3A_205, %ne3A_206 : i32
        %lt3A_208 = arith.constant 0 : i32
        %lt3A_209 = arith.cmpi slt, %rem3A_205, %lt3A_208 : i32
        %lt3A_210 = arith.constant 0 : i32
        %lt3A_211 = arith.cmpi slt, %select_n3A_204, %lt3A_210 : i32
        %ne3A_212 = arith.xori %lt3A_209, %lt3A_211 : i1
        %and3A_213 = arith.andi %ne3A_212, %ne3A_207 : i1
        %add3A_214 = arith.addi %rem3A_205, %select_n3A_204 : i32
        %select_n3A_215 = arith.select %and3A_213, %add3A_214, %rem3A_205 : i32
        %mul3A_216 = arith.constant 2048 : i32
        %mul3A_217 = arith.muli %select_n3A_215, %mul3A_216 : i32
        %dma_start3A_218 = tpu.memref_slice %arg2[%add3A_199, %mul3A_217] : memref<4096x4096xf32, #tpu.memory_space<hbm>> -> memref<8x2048xf32, #tpu.memory_space<hbm>>
        %dma_start3A_219 = tpu.memref_slice %arg2[%add3A_199, %mul3A_217] : memref<4096x4096xf32, #tpu.memory_space<hbm>> -> memref<8x2048xf32, #tpu.memory_space<hbm>>
        tpu.enqueue_dma source(%dma_start3A_219 : memref<8x2048xf32, #tpu.memory_space<hbm>>) target(%arg9 : memref<8x2048xf32, #tpu.memory_space<vmem>>) target_semaphore(%arg13 : memref<!tpu.dma_semaphore, #tpu.memory_space<semaphore_mem>>)
      } else {
      }
    }
    %scan3A_26 = arith.constant 16 : i32
    %add3A_27 = arith.constant 0 : i32
    %add3A_28 = arith.addi %mul3A_2, %add3A_27 : i32
    %dma_wait3A_29 = arith.constant 0 : i32
    %dma_wait3A_30 = tpu.memref_slice %arg4[%add3A_28, %dma_wait3A_29] : memref<4096x4096xf32, #tpu.memory_space<hbm>> -> memref<8x2048xf32, #tpu.memory_space<hbm>>
    %dma_wait3A_31 = arith.constant 0 : i32
    %dma_wait3A_32 = tpu.memref_slice %arg4[%add3A_28, %dma_wait3A_31] : memref<4096x4096xf32, #tpu.memory_space<hbm>> -> memref<8x2048xf32, #tpu.memory_space<hbm>>
    tpu.wait_dma2 semaphore(%arg14 : memref<!tpu.dma_semaphore, #tpu.memory_space<semaphore_mem>>) src(%arg10 : memref<8x2048xf32, #tpu.memory_space<vmem>>) dst(%dma_wait3A_32 : memref<8x2048xf32, #tpu.memory_space<hbm>>)
    %add3A_33 = arith.constant 0 : i32
    %add3A_34 = arith.addi %mul3A_2, %add3A_33 : i32
    %dma_wait3A_35 = arith.constant 0 : i32
    %dma_wait3A_36 = tpu.memref_slice %arg4[%add3A_34, %dma_wait3A_35] : memref<4096x4096xf32, #tpu.memory_space<hbm>> -> memref<8x2048xf32, #tpu.memory_space<hbm>>
    %dma_wait3A_37 = arith.constant 0 : i32
    %dma_wait3A_38 = tpu.memref_slice %arg4[%add3A_34, %dma_wait3A_37] : memref<4096x4096xf32, #tpu.memory_space<hbm>> -> memref<8x2048xf32, #tpu.memory_space<hbm>>
    tpu.wait_dma2 semaphore(%arg15 : memref<!tpu.dma_semaphore, #tpu.memory_space<semaphore_mem>>) src(%arg11 : memref<8x2048xf32, #tpu.memory_space<vmem>>) dst(%dma_wait3A_38 : memref<8x2048xf32, #tpu.memory_space<hbm>>)
    return
  }
}

</mosaic_0001>

<sc_bundles>
// kernel: kernel.3.cloned.1.call-start
scs
__scs_entry_jumppad:
0x0: {  	(pc) =	sbr.rel $0x88, $3  }
0x1: {  	(tag) =	ssettag $0x0;
	lr =	simm.s32 $0x1  }
0x2: {  	[smem:$0x3F9F] =	sst lr;
	_ =	strace $0xD0000000  }
0x3: {  	_ = 	snop  }
0x4: {  	_ = 	snop  }
0x5: {  	_ = 	snop  }
0x6: {  	_ = 	snop  }
0x7: {  	_ = 	snop  }
__scs_overlays_trampoline_lowered:
0x8: {  	[smem:$0x3FAE] =	sst s0  }
0x9: {  	[smem:$0x3FAF] =	sst s1  }
0xa: {  	[smem:$0x3FB0] =	sst s2  }
0xb: {  	[smem:$0x3FB1] =	sst s3  }
0xc: {  	[smem:$0x3FB2] =	sst s4  }
0xd: {  	[smem:$0x3FB3] =	sst s5  }
0xe: {  	[smem:$0x3FB4] =	sst s6  }
0xf: {  	[smem:$0x3FB5] =	sst s7  }
0x10: {  	[smem:$0x3FB6] =	sst s8  }
0x11: {  	[smem:$0x3FB7] =	sst s9;
	s0 =	simm.s32 @!p0 $0x0  }
0x12: {  	s1 =	sld [smem:$0x3F9D];
	s0 =	simm.s32 @p0 $0x1  }
0x13: {  	[smem:$0x3FB8] =	sst s0;
	s0 =	simm.s32 @!p1 $0x0  }
0x14: {  	s2 =	sld [smem:$0x3F9C];
	s0 =	simm.s32 @p1 $0x1  }
0x15: {  	[smem:$0x3FB9] =	sst s0;
	s0 =	simm.s32 @!p2 $0x0  }
0x16: {  	s3 =	sld [smem:$0x3FDB];
	s0 =	simm.s32 @p2 $0x1  }
0x17: {  	s4 =	simm.s32 $0x1BF5;
	[smem:$0x3FBB] =	sst s0  }
0x18: {  	s0 =	sld [smem:$0x3F9E];
	_ =	swait.ge [sflag:s4], $0x0  }
0x19: {  	s7 =	sld [smem:$0x3F9F]  }
0x1a: {  	s8 =	sadd.s32 $0xFFFFE003, lr  }
0x1b: {  	s9 =	sadd.s32 $0xFFFFFEF7, lr;
	s5 =	simm.s32 $0xFFFFFFFF;
	p2 =	slt.u32 s8, $0xFFFFF086  }
0x1c: {  	p1 =	slt.u32 s9, $0xF7A;
	s5 =	simm.s32 @!p2 $0x0  }
0x1d: {  	s5 =	simm.s32 @p1 $0x1;
	p0 =	seq.s32 s7, s2  }
0x1e: {  	s7 =	smul.u32 @!p0 $0xF7A, s2;
	p2 =	seq.s32 @!p0 s5, $0x0  }
0x1f: {  	s9 =	smul.u32 $0xF7A, s1;
	s8 =	simm.s32 @!p0 $0x1BF5;
	p2 =	por !p2, p0  }
0x20: {  	[sflag:s8] =	ssyncset.s32 @!p0 $0xFFFFF086;
	s6 =	sadd.s32 @!p0 s3, s7;
	s7 =	simm.s32 @!p0 $0x108  }
0x21: {  	s3 =	sadd.s32 s3, s9;
	s6 =	sadd.s32 @!p0 $0x88, s6;
	s7 =	simm.s32 @p2 $0x1082  }
0x22: {  	[simem:s7], [sflag:s8] =	dma.local @!p0 [hbm:s6], $0xF7A  }
0x23: {  	s9 =	sor.u32 $0xD0000000, s2;
	s6 =	simm.s32 $0x108;
	_ =	swait.ge @!p0 [sflag:s8], $0x0  }
0x24: {  	s3 =	sadd.s32 $0x88, s3;
	s6 =	simm.s32 @!p1 $0x1082;
	[sflag:s4] =	ssyncset.s32 $0xFFFFF086  }
0x25: {  	[simem:s6], [sflag:s4] =	dma.local [hbm:s3], $0xF7A  }
0x26: {  	[smem:$0x3F9F] =	sst s1;
	(tag) =	ssettag s2;
	_ =	strace s9  }
0x27: {  	s1 =	sld [smem:$0x3FAF]  }
0x28: {  	s2 =	sld [smem:$0x3FB0]  }
0x29: {  	s4 =	sld [smem:$0x3FB2]  }
0x2a: {  	p0 =	seq.s32 s5, $0x0;
	s5 =	sld [smem:$0x3FB3]  }
0x2b: {  	s6 =	sld [smem:$0x3FB4]  }
0x2c: {  	s7 =	sld [smem:$0x3FB5]  }
0x2d: {  	s3 =	simm.s32 $0x108;
	s8 =	sld [smem:$0x3FB6]  }
0x2e: {  	s3 =	simm.s32 @!p0 $0x1082;
	s9 =	sld [smem:$0x3FB7]  }
0x2f: {  	lr =	sadd.s32 s0, s3;
	s0 =	sld [smem:$0x3FAE]  }
0x30: {  	s3 =	sld [smem:$0x3FB1]  }
0x31: {  	[smem:$0x3FBA] =	sst s10  }
0x32: {  	s10 =	sld [smem:$0x3FB8];
	_ =	sdelay $0x3  }
0x33: {  	p0 =	seq.s32 s10, $0x1;
	s10 =	sld [smem:$0x3FBA];
	_ =	sdelay $0x3  }
0x34: {  	[smem:$0x3FBA] =	sst s10  }
0x35: {  	s10 =	sld [smem:$0x3FB9];
	_ =	sdelay $0x3  }
0x36: {  	p1 =	seq.s32 s10, $0x1;
	s10 =	sld [smem:$0x3FBA];
	_ =	sdelay $0x3  }
0x37: {  	[smem:$0x3FBA] =	sst s10  }
0x38: {  	s10 =	sld [smem:$0x3FBB]  }
0x39: {  	_ = 	snop;
	(pc) =	sbr.ind lr, $3  }
0x3a: {  	_ = 	snop  }
0x3b: {  	_ = 	snop  }
0x3c: {  	p2 =	seq.s32 s10, $0x1;
	s10 =	sld [smem:$0x3FBA]  }
0x3d: {  	_ =	shalt  }
0x3e: {  	_ =	shalt  }
0x3f: {  	_ =	shalt  }
0x40: {  	_ =	shalt  }
0x41: {  	_ =	shalt  }
0x42: {  	_ =	shalt  }
0x43: {  	_ =	shalt  }
0x44: {  	_ =	shalt  }
0x45: {  	_ =	shalt  }
0x46: {  	_ =	shalt  }
0x47: {  	_ =	shalt  }
0x48: {  	_ =	shalt  }
0x49: {  	_ =	shalt  }
0x4a: {  	_ =	shalt  }
0x4b: {  	_ =	shalt  }
0x4c: {  	_ =	shalt  }
0x4d: {  	_ =	shalt  }
0x4e: {  	_ =	shalt  }
0x4f: {  	_ =	shalt  }
0x50: {  	_ =	shalt  }
0x51: {  	_ =	shalt  }
0x52: {  	_ =	shalt  }
0x53: {  	_ =	shalt  }
0x54: {  	_ =	shalt  }
0x55: {  	_ =	shalt  }
0x56: {  	_ =	shalt  }
0x57: {  	_ =	shalt  }
0x58: {  	_ =	shalt  }
0x59: {  	_ =	shalt  }
0x5a: {  	_ =	shalt  }
0x5b: {  	_ =	shalt  }
0x5c: {  	_ =	shalt  }
0x5d: {  	_ =	shalt  }
0x5e: {  	_ =	shalt  }
0x5f: {  	_ =	shalt  }
0x60: {  	_ =	shalt  }
0x61: {  	_ =	shalt  }
0x62: {  	_ =	shalt  }
0x63: {  	_ =	shalt  }
0x64: {  	_ =	shalt  }
0x65: {  	_ =	shalt  }
0x66: {  	_ =	shalt  }
0x67: {  	_ =	shalt  }
0x68: {  	_ =	shalt  }
0x69: {  	_ =	shalt  }
0x6a: {  	_ =	shalt  }
0x6b: {  	_ =	shalt  }
0x6c: {  	_ =	shalt  }
0x6d: {  	_ =	shalt  }
0x6e: {  	_ =	shalt  }
0x6f: {  	_ =	shalt  }
0x70: {  	_ =	shalt  }
0x71: {  	_ =	shalt  }
0x72: {  	_ =	shalt  }
0x73: {  	_ =	shalt  }
0x74: {  	_ =	shalt  }
0x75: {  	_ =	shalt  }
0x76: {  	_ =	shalt  }
0x77: {  	_ =	shalt  }
0x78: {  	_ =	shalt  }
0x79: {  	_ =	shalt  }
0x7a: {  	_ =	shalt  }
0x7b: {  	_ =	shalt  }
0x7c: {  	_ =	shalt  }
0x7d: {  	_ =	shalt  }
0x7e: {  	_ =	shalt  }
0x7f: {  	_ =	shalt  }
0x80: {  	_ =	shalt  }
0x81: {  	_ =	shalt  }
0x82: {  	_ =	shalt  }
0x83: {  	_ =	shalt  }
0x84: {  	_ =	shalt  }
0x85: {  	_ =	shalt  }
0x86: {  	_ =	shalt  }
0x87: {  	_ =	shalt  }
.Lfunc_end0:
.L_simem_size_0:
called_computation_lowered:
.L_overlay_start_0:
0x88: {  	s2 =	sld [smem:$0x3FD9]  }
0x89: {  	s3 =	sld [smem:$0x3FFE];
	_ =	sdelay $0x1  }
0x8a: {  	s1 =	srdreg.scid  }
0x8b: {  	s0 =	sand.u32 $0x1, s1  }
0x8c: {  	s18 =	sshll.u32 s0, $0xA;
	s2 =	sadd.s32 s3, s2  }
0x8d: {  	s2 =	sadd.s32 s2, s18  }
0x8e: {  	[smem:$0x3FC6] =	sst s2  }
0x8f: {  	_ = 	snop  }
0x90: {  	s2 =	sld [smem:$0x3FC9]  }
0x91: {  	s19 =	sld [smem:$0x3FC8]  }
0x92: {  	s4 =	sld [smem:$0x3FD0];
	(tm) =	ssettm $0x1  }
0x93: {  	s5 =	sld [smem:$0x3FFB];
	_ =	sdelay $0x3  }
0x94: {  	_ =	strace s5  }
0x95: {  	s5 =	sld [smem:$0x3FFC];
	_ =	sdelay $0x3  }
0x96: {  	_ =	strace s5  }
0x97: {  	s5 =	sld [smem:$0x3FFD];
	_ =	sdelay $0x3  }
0x98: {  	_ =	strace s5  }
0x99: {  	_ =	strace $0x8FFFFFFF  }
0x9a: {  	s20 =	sld [smem:$0x3FDB];
	_ =	sdelay $0x1  }
0x9b: {  	s6 =	simm.s32 $_scs_section_size  }
0x9c: {  	s7 =	simm.s32 $_size__tile_overlayer_lowered;
	s8 =	simm.s32 $_tile_overlayer_lowered  }
0x9d: {  	s23 =	simm.s32 $0x1BFF;
	s22 =	sshll.u32 s8, $0x1;
	s5 =	sadd.s32 s6, s20  }
0x9e: {  	s9 =	simm.s32 $0x0;
	s21 =	sshll.u32 s7, $0x1;
	s7 =	sadd.s32 s22, s5  }
0x9f: {  	[timem:s9], [sflag:s23] =	dma.local [hbm:s7], s21  }
0xa0: {  	_ =	swait.ge [sflag:s23], s21  }
0xa1: {  	s6 =	ssub.s32 $0x0, s21;
	[sflag:s23] =	ssyncset.done $0x0  }
0xa2: {  	[sflag:s23] =	ssyncadd.s32 s6;
	_ =	sdelay $0x1  }
0xa3: {  	s24 =	simm.s32 $0x1B8B  }
0xa4: {  	_ =	swait.ge [sflag:s24], $0x1  }
0xa5: {  	[sflag:s24] =	ssyncset.done $0x0  }
0xa6: {  	s25 =	simm.s32 $0x1B8E;
	[sflag:s24] =	ssyncadd.s32 $0xFFFFFFFF  }
0xa7: {  	s26 =	simm.s32 $execute0_lowered;
	[smem:$0x3FD2] =	sst s25  }
0xa8: {  	s6 =	sshll.u32 s26, $0x1;
	_ =	strace $0x80000046;
	[dreg:$0x1] =	wrdreg $0xFFFFFFFF  }
0xa9: {  	s28 =	simm.s32 $_size_execute0_lowered;
	s5 =	sadd.s32 s5, s6;
	[dreg:$0x0] =	wrdreg $0x0  }
0xaa: {  	s6 =	sshll.u32 s28, $0x1;
	[dreg:$0x2] =	wrdreg s5  }
0xab: {  	[dreg:$0x3] =	wrdreg s6  }
0xac: {  	[dreg:$0x4] =	wrdreg $0xC0  }
0xad: {  	_ =	task [dreg:s9], $0x5FFFF  }
0xae: {  	[dreg:$0x1] =	wrdreg $0xFFFFFFFF  }
0xaf: {  	[dreg:$0x0] =	wrdreg $0x60  }
0xb0: {  	[dreg:$0x2] =	wrdreg s2  }
0xb1: {  	[dreg:$0x3] =	wrdreg s19  }
0xb2: {  	[dreg:$0x4] =	wrdreg s4  }
0xb3: {  	[dreg:$0x5] =	wrdreg $0x9  }
0xb4: {  	_ =	task.clear_ibuf [dreg:s9], $0x6FFFF;
	_ =	strace $0x90000046  }
0xb5: {  	s29 =	simm.s32 $0x9;
	_ =	strace $0x80000048  }
0xb6: {  	_ =	swait.ge [sflag:s29], $0x1  }
0xb7: {  	[sflag:s29] =	ssyncadd.s32 $0xFFFFFFFF  }
0xb8: {  	_ =	strace $0x90000048  }
0xb9: {  	_ =	sfence  }
0xba: {  	s30 =	sld [smem:$0x0];
	_ =	sdelay $0x2  }
0xbb: {  	s31 =	sshll.u32 s1, $0xD;
	s1 =	sshrl.u32 s1, $0x2  }
0xbc: {  	s3 =	sand.u32 $0x4000, s31;
	s1 =	sadd.s32 s1, s30  }
0xbd: {  	s0 =	sor.u32 s3, s0;
	s1 =	sshll.u32 s1, $0x11  }
0xbe: {  	s0 =	sor.u32 s1, s0  }
0xbf: {  	s0 =	sadd.s32 $0x8F2B, s0  }
0xc0: {  	[sflag:s0] =	ssyncadd.remote.s32 $0x1  }
0xc1: {  	_ =	sfence.sel $0xFFFF  }
0xc2: {  	[dreg:$0x0] =	wrdreg $0xFFFFFFFF;
	(pc) =	sbr.abs _section_cstart, $3  }
0xc3: {  	[dreg:$0x1] =	wrdreg $0xFFFFFFFF  }
0xc4: {  	_ =	task.clear_ibuf [dreg:s9], $0x2FFFF;
	_ =	strace $0x9FFFFFFF  }
0xc5: {  	(tm) =	ssettm $0x7FFFFFFF  }
tec
execute0_lowered:
.L_overlay_start_1:
0x0: {  	(tag) =	ssettag $0x1  }
0x1: {  	s0 =	rddreg [dreg:$0x0]  }
0x2: {  	s3 =	rddreg [dreg:$0x2];
	s5 =	srdreg.scid;
	s4 =	simm.s32 $0x0  }
0x3: {  	s1 =	stileid.u32;
	s13 =	simm.s32 $0xC80;
	s14 =	simm.s32 $0x4C80  }
0x4: {  	s15 =	simm.s32 $0x5;
	s16 =	simm.s32 $0x1;
	s17 =	simm.s32 $0x8C80  }
0x5: {  	s18 =	simm.s32 $0x2;
	s19 =	simm.s32 $0x4;
	s20 =	simm.s32 $0xCC80  }
0x6: {  	s21 =	simm.s32 $0x3;
	s22 =	simm.s32 $0x0;
	s5 =	sand.u32 $0x1, s5  }
0x7: {  	[smem:$0x7FF] =	sst s4;
	s6 =	sshll.u32 s1, $0x8;
	s10 =	sadd.s32 $0x800, s3  }
.Ltmp0:
0x8: {  	s7 =	sshll.u32 s5, $0x7;
	s8 =	ssub.s32 $0x2, s5;
	(pc) =	sbr.rel .LBB2_1-.Ltmp0, $4  }
0x9: {  	_ =	strace $0x80000047;
	s9 =	sor.u32 s7, s6;
	s31 =	sshrl.u32 s8, $0x1  }
0xa: {  	s5 =	sadd.s32 $0x800, s0;
	s7 =	sshll.u32 s9, $0x9;
	s12 =	ssub.s32 s8, s31  }
0xb: {  	s8 =	sshrl.u32 s9, $0x3;
	s6 =	sadd.s32 s0, s7;
	s7 =	sadd.s32 s7, s5  }
0xc: {  	v0 =	vlaneseq.u32;
	s11 =	sor.u32 $0x1, s8;
	s12 =	smax.u32 s12, $0x1;
	s9 =	sadd.s32 $0x1000, s6  }
.LBB2_14:
0xd: {  	s22 =	sadd.s32 $0x1, s22  }
0xe: {  	_ =	swait.ge [sflag:s21], $0x4000;
	p0 =	sne.s32 s22, s12  }
.Ltmp1:
0xf: {  	[sflag:s21] =	ssyncset.done $0x0;
	(pc) =	sbr.rel @!p0 .LBB2_15-.Ltmp1, $4  }
0x10: {  	[sflag:s21] =	ssyncadd.s32 $0xFFFFC000  }
0x11: {  	_ =	swait.ge [sflag:s19], $0x4000  }
0x12: {  	[sflag:s19] =	ssyncset.done $0x0  }
0x13: {  	[sflag:s19] =	ssyncadd.s32 $0xFFFFC000  }
.LBB2_1:
0x14: {  	[tilespmem:s13], [sflag:$0x1] =	stream.linear.gather [hbm4b:s6+s4], $0x4000, $0x38;
	[tilespmem:$0x10C80] =	vst v63  }
0x15: {  	_ = 	snop  }
0x16: {  	[tilespmem:s14], [sflag:$0x2] =	stream.linear.gather [hbm4b:s7+s4], $0x4000, $0x38;
	[tilespmem:$0x10C80] =	vst v63  }
0x17: {  	s0 =	rddreg [dreg:$0x1]  }
0x18: {  	[tilespmem:s4], [sflag:$0x5] =	stream.linear.gather [hbm4b:s0+s4], $0x400, $0x38;
	[tilespmem:$0x10C80] =	vst v63  }
0x19: {  	_ =	swait.ge [sflag:s15], $0x400  }
0x1a: {  	[sflag:s15] =	ssyncset.done $0x0  }
0x1b: {  	s2 =	simm.s32 $0x20;
	[sflag:s15] =	ssyncadd.s32 $0xFFFFFC00  }
0x1c: {  	v1 =	vld [tilespmem:s2+$0x10]  }
0x1d: {  	v2 =	vld [tilespmem:s2+$0x11]  }
0x1e: {  	v7 =	vld [tilespmem:s2+$0xFFFFFFF0]  }
0x1f: {  	v3 =	vld [tilespmem:s2+$0xFFFFFFF1]  }
0x20: {  	v4 =	vld [tilespmem:s2+$0xFFFFFFE1]  }
0x21: {  	s23 =	simm.s32 $0x30;
	v9 =	vld [tilespmem:s2+$0x0]  }
0x22: {  	s24 =	simm.s32 $0x10;
	v5 =	vor.u32 s23, v0;
	v8 =	vld [tilespmem:s2+$0x1]  }
0x23: {  	s25 =	simm.s32 $0x60;
	v11 =	vor.u32 s24, v0;
	v5 =	vcvt.s32.f32 v5;
	v10 =	vld [tilespmem:s2+$0xFFFFFFE0];
	v2 =	vsub.f32 v2, v1  }
0x24: {  	v11 =	vcvt.s32.f32 v11;
	v6 =	vld [tilespmem:s25+$0x10];
	v14 =	vsub.f32 v3, v7  }
0x25: {  	s26 =	simm.s32 $0x20;
	v13 =	vld [tilespmem:s25+$0x11];
	v12 =	vmul.f32 v5, v2  }
0x26: {  	v15 =	vor.u32 s4, v0;
	s24 =	simm.s32 $0x8A0;
	v16 =	vor.u32 s26, v0;
	v63 =	vld [tilespmem:s25+$0xFFFFFFF1];
	v11 =	vmul.f32 v11, v14  }
0x27: {  	v3 =	vld [tilespmem:s25+$0xFFFFFFF0];
	[tilespmem:s24+$0x10] =	vst v2;
	v1 =	vsub.f32 v1, v12;
	v12 =	vsub.f32 v8, v9;
	v8 =	vcvt.s32.f32 v16  }
0x28: {  	s30 =	simm.s32 $0x70;
	s23 =	simm.s32 $0x4A0;
	v5 =	vld [tilespmem:s25+$0xFFFFFFE1];
	v2 =	vsub.f32 v4, v10;
	v4 =	vcvt.s32.f32 v15;
	[tilespmem:s24+$0xFFFFFFF0] =	vst v14  }
0x29: {  	v15 =	vor.u32 s30, v0;
	v11 =	vsub.f32 v7, v11;
	[tilespmem:s23+$0x10] =	vst v1;
	v1 =	vld [tilespmem:s25+$0x0];
	v14 =	vmul.f32 v8, v12  }
0x2a: {  	v7 =	vsub.f32 v13, v6;
	v13 =	vcvt.s32.f32 v15;
	[tilespmem:s24+$0xFFFFFFE0] =	vst v2;
	v15 =	vmul.f32 v4, v2;
	v8 =	vld [tilespmem:s25+$0x1]  }
0x2b: {  	s31 =	simm.s32 $0x50;
	v4 =	vld [tilespmem:s25+$0xFFFFFFE0];
	s25 =	simm.s32 $0xA0;
	[tilespmem:s23+$0xFFFFFFF0] =	vst v11;
	v14 =	vsub.f32 v9, v14  }
0x2c: {  	s28 =	simm.s32 $0x40;
	v17 =	vor.u32 s31, v0;
	v11 =	vmul.f32 v13, v7;
	[tilespmem:s24+$0x0] =	vst v12;
	v12 =	vsub.f32 v10, v15;
	v2 =	vld [tilespmem:s25+$0x10]  }
0x2d: {  	s29 =	simm.s32 $0xC0;
	s26 =	simm.s32 $0x80;
	s0 =	simm.s32 $0x60;
	v10 =	vsub.f32 v63, v3;
	v13 =	vcvt.s32.f32 v17;
	v9 =	vld [tilespmem:s25+$0x11];
	[tilespmem:s23+$0x0] =	vst v14  }
.LBB2_2:
0x2e: {  	p0 =	slt.u32 s29, $0x3C0;
	v14 =	vld [tilespmem:s25+$0xFFFFFFE1];
	v15 =	vor.u32 s28, v0;
	v16 =	vor.u32 s0, v0;
	v19 =	vsub.f32 v6, v11;
	[tilespmem:s23+$0xFFFFFFE0] =	vst v12;
	s24 =	sadd.s32 $0x40, s24;
	v11 =	vmovc v1;
	s28 =	smov.u32 s26  }
0x2f: {  	s23 =	sadd.s32 $0x40, s23;
	s26 =	smov.u32 s29;
	v17 =	vld [tilespmem:s25+$0xFFFFFFF0];
	v12 =	vmul.f32 v13, v10;
	v13 =	vsub.f32 v8, v11;
	v8 =	vcvt.s32.f32 v16;
	[tilespmem:s24+$0x10] =	vst v7  }
0x30: {  	s0 =	sadd.s32 $0x30, s28;
	v15 =	vcvt.s32.f32 v15;
	v16 =	vld [tilespmem:s25+$0xFFFFFFF1];
	v20 =	vsub.f32 v5, v4;
	[tilespmem:s23+$0x10] =	vst v19;
	v18 =	vmov v4  }
.Ltmp2:
0x31: {  	v4 =	vor.u32 s0, v0;
	v1 =	vld [tilespmem:s25+$0x0];
	[tilespmem:s24+$0xFFFFFFF0] =	vst v10;
	v19 =	vsub.f32 v3, v12;
	v10 =	vmul.f32 v8, v13;
	v6 =	vmovc v2;
	(pc) =	sbr.rel @p0 .LBB2_2-.Ltmp2, $4  }
0x32: {  	v8 =	vld [tilespmem:s25+$0x1];
	v7 =	vsub.f32 v9, v6;
	v9 =	vcvt.s32.f32 v4;
	[tilespmem:s24+$0xFFFFFFE0] =	vst v20;
	v12 =	vmul.f32 v15, v20  }
0x33: {  	s0 =	sadd.s32 $0x10, s28;
	v4 =	vld [tilespmem:s25+$0xFFFFFFE0];
	s25 =	sadd.s32 $0x40, s25;
	[tilespmem:s23+$0xFFFFFFF0] =	vst v19;
	v15 =	vsub.f32 v11, v10;
	v5 =	vmov v14  }
0x34: {  	v14 =	vor.u32 s0, v0;
	v2 =	vld [tilespmem:s25+$0x10];
	v11 =	vmul.f32 v9, v7;
	v12 =	vsub.f32 v18, v12;
	[tilespmem:s24+$0x0] =	vst v13;
	v3 =	vmovc v17  }
0x35: {  	s29 =	sadd.s32 $0x40, s29;
	s0 =	sadd.s32 $0x20, s28;
	v13 =	vcvt.s32.f32 v14;
	v9 =	vld [tilespmem:s25+$0x11];
	v10 =	vsub.f32 v16, v3;
	[tilespmem:s23+$0x0] =	vst v15  }
0x36: {  	v14 =	vld [tilespmem:s25+$0xFFFFFFE1]  }
0x37: {  	v48 =	vld [tilespmem:s25+$0xFFFFFFF0]  }
0x38: {  	[tilespmem:s23+$0xFFFFFFE0] =	vst v12;
	s1 =	sadd.s32 $0x40, s24;
	v51 =	vld [tilespmem:s25+$0xFFFFFFF1]  }
0x39: {  	v16 =	vor.u32 s0, v0;
	v6 =	vsub.f32 v6, v11;
	v52 =	vld [tilespmem:s25+$0x0];
	[tilespmem:s1+$0x10] =	vst v7  }
0x3a: {  	s2 =	sadd.s32 $0x40, s23;
	v55 =	vld [tilespmem:s25+$0x1];
	v49 =	vmul.f32 v13, v10;
	v8 =	vsub.f32 v8, v1;
	v50 =	vcvt.s32.f32 v16;
	[tilespmem:s1+$0xFFFFFFF0] =	vst v10  }
0x3b: {  	v15 =	vor.u32 s28, v0;
	s28 =	sadd.s32 $0x30, s26;
	v57 =	vld [tilespmem:s25+$0xFFFFFFE0];
	v5 =	vsub.f32 v5, v4;
	[tilespmem:s2+$0x10] =	vst v6  }
0x3c: {  	v53 =	vor.u32 s28, v0;
	v3 =	vsub.f32 v3, v49;
	v54 =	vmul.f32 v50, v8;
	[tilespmem:s1+$0x0] =	vst v8  }
0x3d: {  	s29 =	sadd.s32 $0x10, s26;
	s30 =	sadd.s32 $0x20, s26;
	v15 =	vcvt.s32.f32 v15;
	v56 =	vcvt.s32.f32 v53;
	v9 =	vsub.f32 v9, v2;
	[tilespmem:s1+$0xFFFFFFE0] =	vst v5  }
0x3e: {  	v61 =	vor.u32 s30, v0;
	s0 =	sadd.s32 $0x40, s1;
	[tilespmem:s2+$0xFFFFFFF0] =	vst v3;
	v1 =	vsub.f32 v1, v54;
	v3 =	vor.u32 s29, v0  }
0x3f: {  	v60 =	vsub.f32 v51, v48;
	v58 =	vmul.f32 v56, v9;
	v3 =	vcvt.s32.f32 v3;
	[tilespmem:s0+$0x10] =	vst v9  }
0x40: {  	v7 =	vcvt.s32.f32 v61;
	v62 =	vsub.f32 v55, v52;
	v63 =	vsub.f32 v14, v57;
	[tilespmem:s2+$0x0] =	vst v1  }
0x41: {  	v1 =	vor.u32 s26, v0;
	[tilespmem:s0+$0xFFFFFFF0] =	vst v60;
	v2 =	vsub.f32 v2, v58;
	v3 =	vmul.f32 v3, v60  }
0x42: {  	s31 =	sadd.s32 $0x40, s2;
	v5 =	vmul.f32 v15, v5;
	[tilespmem:s0+$0xFFFFFFE0] =	vst v63;
	v1 =	vcvt.s32.f32 v1  }
0x43: {  	[tilespmem:s31+$0x10] =	vst v2;
	v2 =	vsub.f32 v48, v3;
	v3 =	vmul.f32 v7, v62  }
0x44: {  	v59 =	vsub.f32 v4, v5;
	[tilespmem:s0+$0x0] =	vst v62;
	v1 =	vmul.f32 v1, v63  }
0x45: {  	[tilespmem:s31+$0xFFFFFFF0] =	vst v2;
	v2 =	vsub.f32 v52, v3  }
0x46: {  	[tilespmem:s2+$0xFFFFFFE0] =	vst v59;
	v1 =	vsub.f32 v57, v1  }
0x47: {  	[tilespmem:s31+$0x0] =	vst v2  }
0x48: {  	s23 =	simm.s32 $0x0;
	s24 =	simm.s32 $0x0;
	[tilespmem:s31+$0xFFFFFFE0] =	vst v1  }
.LBB2_4:
0x49: {  	_ =	swait.ge [sflag:s16], $0x4000  }
0x4a: {  	p0 =	seq.s32 s24, $0x0;
	[sflag:s16] =	ssyncset.done $0x0  }
0x4b: {  	s0 =	simm.s32 @!p0 $0x3;
	[sflag:s16] =	ssyncadd.s32 $0xFFFFC000  }
0x4c: {  	s25 =	simm.s32 $0x0;
	_ =	swait.ge @!p0 [sflag:s0], $0x4000  }
0x4d: {  	s26 =	sand.u32 $0x3C00, s23;
	s25 =	sand.u32 $0x70, s25;
	[sflag:s0] =	ssyncset.done @!p0 $0x0  }
0x4e: {  	s2 =	sor.u32 s25, s26;
	[sflag:s0] =	ssyncadd.s32 @!p0 $0xFFFFC000  }
0x4f: {  	v1 =	vld [tilespmem:s2+$0xC80]  }
0x50: {  	v2 =	vld [tilespmem:s2+$0xD00]  }
0x51: {  	v3 =	vld [tilespmem:s2+$0xD80]  }
0x52: {  	v4 =	vld [tilespmem:s2+$0xE00]  }
0x53: {  	s28 =	simm.s32 $0x80;
	s26 =	simm.s32 $0x10;
	v6 =	vld [tilespmem:s2+$0xE80]  }
0x54: {  	s29 =	sand.u32 $0x3C00, s28;
	s31 =	sand.u32 $0x70, s26;
	v7 =	vld [tilespmem:s2+$0xF00];
	[tilespmem:s2+$0x8C80] =	vst v1  }
0x55: {  	s25 =	sor.u32 s31, s29;
	v8 =	vld [tilespmem:s2+$0xF80];
	[tilespmem:s2+$0x8D00] =	vst v2  }
0x56: {  	v5 =	vld [tilespmem:s25+$0xC80];
	[tilespmem:s2+$0x8D80] =	vst v3  }
0x57: {  	s29 =	sand.u32 $0x7, s23;
	[tilespmem:s2+$0x8E00] =	vst v4;
	v1 =	vld [tilespmem:s25+$0xD00]  }
0x58: {  	s29 =	sshll.u32 s29, $0x4;
	[tilespmem:s2+$0x8E80] =	vst v6;
	v3 =	vld [tilespmem:s25+$0xD80]  }
0x59: {  	s29 =	sadd.s32 $0x0, s29;
	v2 =	vld [tilespmem:s25+$0xE00];
	[tilespmem:s2+$0x8F00] =	vst v7  }
0x5a: {  	s30 =	simm.s32 $0x80;
	s0 =	simm.s32 $0x0;
	s29 =	sor.u32 $0x380, s29;
	v4 =	vld [tilespmem:s25+$0xE80];
	[tilespmem:s2+$0x8F80] =	vst v8  }
.LBB2_5:
0x5b: {  	s26 =	sadd.s32 $0x10, s26;
	[tilespmem:s25+$0x8C80] =	vst v5;
	s28 =	sadd.s32 $0x80, s28;
	v6 =	vld [tilespmem:s29+$0xC80]  }
0x5c: {  	s31 =	sand.u32 $0x70, s26;
	s2 =	sand.u32 $0x3C00, s28;
	p1 =	slt.u32 s26, $0x7F0;
	[tilespmem:s25+$0x8D00] =	vst v1;
	v7 =	vld [tilespmem:s25+$0xF00]  }
0x5d: {  	s2 =	sor.u32 s31, s2;
	[tilespmem:s25+$0x8D80] =	vst v3;
	v8 =	vld [tilespmem:s25+$0xF80]  }
.Ltmp3:
0x5e: {  	s0 =	sadd.s32 $0x1, s0;
	v5 =	vld [tilespmem:s2+$0xC80];
	[tilespmem:s25+$0x8E00] =	vst v2;
	(pc) =	sbr.rel @p1 .LBB2_5-.Ltmp3, $4  }
0x5f: {  	s31 =	sand.u32 $0x7, s0;
	v1 =	vld [tilespmem:s2+$0xD00];
	[tilespmem:s25+$0x8E80] =	vst v4  }
0x60: {  	s31 =	sshll.u32 s31, $0x4;
	v3 =	vld [tilespmem:s2+$0xD80];
	[tilespmem:s29+$0x8C80] =	vst v6  }
0x61: {  	s29 =	sadd.s32 s31, s30;
	s30 =	smov.u32 s28;
	v2 =	vld [tilespmem:s2+$0xE00];
	[tilespmem:s25+$0x8F00] =	vst v7  }
0x62: {  	s29 =	sor.u32 $0x380, s29;
	v4 =	vld [tilespmem:s2+$0xE80];
	[tilespmem:s25+$0x8F80] =	vst v8;
	s25 =	smov.u32 s2  }
0x63: {  	_ = 	snop  }
0x64: {  	[tilespmem:s25+$0x8D00] =	vst v1;
	v1 =	vld [tilespmem:s25+$0xF00]  }
0x65: {  	[tilespmem:s25+$0x8D80] =	vst v3;
	v3 =	vld [tilespmem:s25+$0xF80]  }
0x66: {  	[tilespmem:s25+$0x8C80] =	vst v5;
	s0 =	sadd.s32 $0x1, s0  }
0x67: {  	s0 =	sand.u32 $0x7, s0;
	[tilespmem:s25+$0x8E00] =	vst v2  }
0x68: {  	s0 =	sshll.u32 s0, $0x4;
	[tilespmem:s25+$0x8E80] =	vst v4  }
0x69: {  	s0 =	sadd.s32 s0, s30;
	[tilespmem:s25+$0x8F00] =	vst v1  }
0x6a: {  	s0 =	sor.u32 $0x380, s0;
	v1 =	vld [tilespmem:s29+$0xC80];
	[tilespmem:s25+$0x8F80] =	vst v3  }
0x6b: {  	v2 =	vld [tilespmem:s0+$0xC80]  }
0x6c: {  	p1 =	sne.s32 s24, $0xF  }
.Ltmp4:
0x6d: {  	_ = 	snop;
	(pc) =	sbr.rel @p1 .LBB2_8-.Ltmp4, $4  }
0x6e: {  	s2 =	sadd.s32 s8, s24  }
0x6f: {  	s25 =	sshll.u32 s2, $0xC;
	[tilespmem:s29+$0x8C80] =	vst v1  }
0x70: {  	s31 =	sadd.s32 s3, s25;
	[tilespmem:s0+$0x8C80] =	vst v2  }
0x71: {  	[hbm4b:s31+s4] =	stream.linear.scatter [tilespmem:s17], [sflag:$0x3], $0x4000, $0x38;
	[tilespmem:$0x10C80] =	vst v63  }
.Ltmp5:
0x72: {  	(pc) =	sbr.rel .LBB2_9-.Ltmp5, $4  }
0x73: {  	_ = 	snop  }
0x74: {  	_ =	swait.ge [sflag:s18], $0x4000  }
0x75: {  	[sflag:s18] =	ssyncset.done $0x0  }
0x76: {  	[sflag:s18] =	ssyncadd.s32 $0xFFFFC000  }
.LBB2_8:
0x77: {  	s0 =	sshll.u32 s24, $0xC  }
.Ltmp6:
0x78: {  	s0 =	sadd.s32 s0, s9;
	(pc) =	sbr.rel @p0 .LBB2_10-.Ltmp6, $4  }
0x79: {  	[tilespmem:s13], [sflag:$0x1] =	stream.linear.gather [hbm4b:s0+s4], $0x4000, $0x38;
	[tilespmem:$0x10C80] =	vst v63  }
0x7a: {  	_ =	swait.ge [sflag:s18], $0x4000  }
0x7b: {  	[sflag:s18] =	ssyncset.done $0x0  }
0x7c: {  	[sflag:s18] =	ssyncadd.s32 $0xFFFFC000  }
.LBB2_9:
0x7d: {  	_ =	swait.ge [sflag:s19], $0x4000  }
0x7e: {  	[sflag:s19] =	ssyncset.done $0x0  }
0x7f: {  	[sflag:s19] =	ssyncadd.s32 $0xFFFFC000  }
.LBB2_10:
0x80: {  	s26 =	simm.s32 $0x0;
	s0 =	simm.s32 $0x0  }
0x81: {  	s0 =	sand.u32 $0x70, s0;
	s2 =	sand.u32 $0x3C00, s26  }
0x82: {  	s0 =	sor.u32 s0, s2  }
0x83: {  	v1 =	vld [tilespmem:s0+$0x4C80]  }
0x84: {  	v2 =	vld [tilespmem:s0+$0x4D00]  }
0x85: {  	v3 =	vld [tilespmem:s0+$0x4D80]  }
0x86: {  	v4 =	vld [tilespmem:s0+$0x4E00]  }
0x87: {  	s29 =	simm.s32 $0x10;
	s30 =	simm.s32 $0x80;
	v6 =	vld [tilespmem:s0+$0x4E80]  }
0x88: {  	s1 =	sand.u32 $0x70, s29;
	s28 =	sand.u32 $0x3C00, s30;
	v7 =	vld [tilespmem:s0+$0x4F00];
	[tilespmem:s0+$0xCC80] =	vst v1  }
0x89: {  	s28 =	sor.u32 s1, s28;
	v8 =	vld [tilespmem:s0+$0x4F80];
	[tilespmem:s0+$0xCD00] =	vst v2  }
0x8a: {  	v5 =	vld [tilespmem:s28+$0x4C80];
	[tilespmem:s0+$0xCD80] =	vst v3  }
0x8b: {  	s1 =	sand.u32 $0x7, s26;
	[tilespmem:s0+$0xCE00] =	vst v4;
	v1 =	vld [tilespmem:s28+$0x4D00]  }
0x8c: {  	s2 =	sshll.u32 s1, $0x4;
	[tilespmem:s0+$0xCE80] =	vst v6;
	v3 =	vld [tilespmem:s28+$0x4D80]  }
0x8d: {  	s2 =	sadd.s32 $0x0, s2;
	v2 =	vld [tilespmem:s28+$0x4E00];
	[tilespmem:s0+$0xCF00] =	vst v7  }
0x8e: {  	s31 =	simm.s32 $0x80;
	v4 =	vld [tilespmem:s28+$0x4E80];
	[tilespmem:s0+$0xCF80] =	vst v8;
	s0 =	sor.u32 $0x380, s2  }
.LBB2_11:
0x8f: {  	s29 =	sadd.s32 $0x10, s29;
	[tilespmem:s28+$0xCC80] =	vst v5;
	s30 =	sadd.s32 $0x80, s30;
	v6 =	vld [tilespmem:s0+$0x4C80]  }
0x90: {  	s2 =	sand.u32 $0x70, s29;
	s1 =	sand.u32 $0x3C00, s30;
	p0 =	slt.u32 s29, $0x7F0;
	[tilespmem:s28+$0xCD00] =	vst v1;
	v7 =	vld [tilespmem:s28+$0x4F00]  }
0x91: {  	s1 =	sor.u32 s2, s1;
	[tilespmem:s28+$0xCD80] =	vst v3;
	v8 =	vld [tilespmem:s28+$0x4F80]  }
.Ltmp7:
0x92: {  	s26 =	sadd.s32 $0x1, s26;
	v5 =	vld [tilespmem:s1+$0x4C80];
	[tilespmem:s28+$0xCE00] =	vst v2;
	(pc) =	sbr.rel @p0 .LBB2_11-.Ltmp7, $4  }
0x93: {  	s2 =	sand.u32 $0x7, s26;
	v1 =	vld [tilespmem:s1+$0x4D00];
	[tilespmem:s28+$0xCE80] =	vst v4  }
0x94: {  	s2 =	sshll.u32 s2, $0x4;
	v3 =	vld [tilespmem:s1+$0x4D80];
	[tilespmem:s0+$0xCC80] =	vst v6  }
0x95: {  	s0 =	sadd.s32 s2, s31;
	s31 =	smov.u32 s30;
	v2 =	vld [tilespmem:s1+$0x4E00];
	[tilespmem:s28+$0xCF00] =	vst v7  }
0x96: {  	s0 =	sor.u32 $0x380, s0;
	v4 =	vld [tilespmem:s1+$0x4E80];
	[tilespmem:s28+$0xCF80] =	vst v8;
	s28 =	smov.u32 s1  }
0x97: {  	_ = 	snop  }
0x98: {  	[tilespmem:s28+$0xCD00] =	vst v1;
	v1 =	vld [tilespmem:s28+$0x4F00]  }
0x99: {  	[tilespmem:s28+$0xCD80] =	vst v3;
	v3 =	vld [tilespmem:s28+$0x4F80]  }
0x9a: {  	[tilespmem:s28+$0xCC80] =	vst v5;
	s1 =	sadd.s32 $0x1, s26  }
0x9b: {  	s1 =	sand.u32 $0x7, s1;
	[tilespmem:s28+$0xCE00] =	vst v2  }
0x9c: {  	s1 =	sshll.u32 s1, $0x4;
	[tilespmem:s28+$0xCE80] =	vst v4  }
0x9d: {  	s1 =	sadd.s32 s1, s31;
	[tilespmem:s28+$0xCF00] =	vst v1  }
0x9e: {  	s1 =	sor.u32 $0x380, s1;
	v1 =	vld [tilespmem:s0+$0x4C80];
	[tilespmem:s28+$0xCF80] =	vst v3  }
0x9f: {  	v2 =	vld [tilespmem:s1+$0x4C80]  }
0xa0: {  	p0 =	seq.s32 s24, $0xF  }
.Ltmp8:
0xa1: {  	_ = 	snop;
	(pc) =	sbr.rel @p0 .LBB2_14-.Ltmp8, $4  }
0xa2: {  	_ = 	snop  }
0xa3: {  	[tilespmem:s0+$0xCC80] =	vst v1  }
0xa4: {  	s31 =	sadd.s32 s25, s10;
	[tilespmem:s1+$0xCC80] =	vst v2  }
0xa5: {  	[hbm4b:s31+s4] =	stream.linear.scatter [tilespmem:s20], [sflag:$0x4], $0x4000, $0x38;
	[tilespmem:$0x10C80] =	vst v63  }
.Ltmp9:
0xa6: {  	(pc) =	sbr.rel .LBB2_4-.Ltmp9, $4  }
0xa7: {  	s0 =	sadd.s32 s24, s11  }
0xa8: {  	s0 =	sshll.u32 s0, $0xC  }
0xa9: {  	s24 =	sadd.s32 $0x1, s24;
	s0 =	sadd.s32 s0, s5  }
0xaa: {  	[tilespmem:s14], [sflag:$0x2] =	stream.linear.gather [hbm4b:s0+s4], $0x4000, $0x38;
	[tilespmem:$0x10C80] =	vst v63  }
.LBB2_15:
0xab: {  	_ =	sfence.sel $0x180000  }
0xac: {  	[bflag:$0x0] =	sbarrier.arrive $0xFFFF  }
0xad: {  	_ =	strace $0x90000047  }
0xae: {  	s0 =	stileid.u32;
	[bflag:$0x2] =	sbarrier.arrive $0xFFFF  }
0xaf: {  	p0 =	sne.s32 s0, $0x0;
	s0 =	rddreg [dreg:$0x3]  }
0xb0: {  	s0 =	sadd.s32 @!p0 $0x100000, s0  }
0xb1: {  	[sflag:s0] =	ssyncadd.tile.s32 @!p0 $0x1;
	_ =	shalt  }
.Lfunc_end2:
_tile_overlayer_lowered:
.L_overlay_start_2:
0xb2: {  	(tag) =	ssettag $0x2  }
0xb3: {  	s0 =	rddreg [dreg:$0x0];
	s2 =	stileid.u32  }
0xb4: {  	s1 =	rddreg [dreg:$0x1];
	p0 =	sne.s32 s2, $0x0  }
0xb5: {  	s3 =	rddreg [dreg:$0x2];
	[bflag:$0x3] =	sbarrier.arrive $0xFFFF;
	s2 =	simm.s32 @!p0 $0x1C06  }
0xb6: {  	[timem:s3], [sflag:s2] =	dma.local @!p0 [hbm:s0], s1  }
0xb7: {  	s0 =	simm.s32 @!p0 $0x6  }
0xb8: {  	_ =	swait.ge @!p0 [sflag:s0], s1  }
0xb9: {  	s1 =	ssub.s32 @!p0 $0x0, s1;
	[sflag:s0] =	ssyncset.done @!p0 $0x0  }
0xba: {  	[sflag:s0] =	ssyncadd.s32 @!p0 s1  }
0xbb: {  	[bflag:$0x3] =	sbarrier.arrive $0xFFFF  }
0xbc: {  	_ =	shalt  }

</sc_bundles>
